<compile_context>
chip_gen: v7x
topology: tpu7x:2x2x1
jax: 0.10.2.dev20260603
libtpu: 0.0.44.dev20260713+nightly
codegen_flags: <defaults>
</compile_context>

<pallas_src>
import functools

import jax
import jax.numpy as jnp
from jax import lax
from jax.experimental import pallas as pl
from jax.experimental.pallas import tpu as pltpu
from jax.experimental.pallas import tpu_sc as plsc

N, E, D, H = 10000, 320000, 128, 64
H2 = H // 2
NC, NS = 2, 16
CH = 128
K = 80
EP = NC * NS * K * CH
NP = 10240
RT = NP // NS
RB = 1280
NBUF = 4

_sc_params = pltpu.CompilerParams(use_tc_tiling_on_sc=False)
_sc_mesh = plsc.VectorSubcoreMesh(
    core_axis_name="c", subcore_axis_name="s", num_cores=NC, num_subcores=NS
)


def _mm1_body(x_ref, wl_ref, wr_ref, b1_ref, yla_ref, ylb_ref, yr_ref):
    xb = x_ref[...]
    yl = jnp.dot(xb, wl_ref[...], preferred_element_type=jnp.float32)
    yla_ref[...] = yl[:, :H2]
    ylb_ref[...] = yl[:, H2:]
    yr_ref[...] = (
        jnp.dot(xb, wr_ref[...], preferred_element_type=jnp.float32) + b1_ref[...]
    )


_mm1 = pl.pallas_call(
    _mm1_body,
    grid=(NP // RB,),
    in_specs=[
        pl.BlockSpec((RB, D), lambda i: (i, 0)),
        pl.BlockSpec((D, H), lambda i: (0, 0)),
        pl.BlockSpec((D, H), lambda i: (0, 0)),
        pl.BlockSpec((1, H), lambda i: (0, 0)),
    ],
    out_specs=[
        pl.BlockSpec((RB, H2), lambda i: (i, 0)),
        pl.BlockSpec((RB, H2), lambda i: (i, 0)),
        pl.BlockSpec((RB, H), lambda i: (i, 0)),
    ],
    out_shape=[
        jax.ShapeDtypeStruct((NP, H2), jnp.float32),
        jax.ShapeDtypeStruct((NP, H2), jnp.float32),
        jax.ShapeDtypeStruct((NP, H), jnp.float32),
    ],
)


K2 = 2 * K


@functools.partial(
    pl.kernel,
    out_type=[
        jax.ShapeDtypeStruct((NC, NP, H2), jnp.float32),
        jax.ShapeDtypeStruct((NP,), jnp.float32),
    ],
    mesh=_sc_mesh,
    scratch_types=[
        pltpu.VMEM((K2, CH), jnp.int32),
        pltpu.VMEM((K2, CH), jnp.int32),
        pltpu.VMEM((NBUF, CH, H2), jnp.float32),
        pltpu.VMEM((CH,), jnp.float32),
        pltpu.VMEM_SHARED((NP, H2), jnp.float32),
        pltpu.VMEM_SHARED((NP, H2), jnp.float32),
        pltpu.VMEM_SHARED((NP,), jnp.float32),
        pltpu.SemaphoreType.DMA,
        pltpu.SemaphoreType.DMA,
        pltpu.SemaphoreType.DMA,
    ],
    compiler_params=_sc_params,
)
def _sc_pass1(yla, ylb, srcj, dstj, zrows, zcnt, ones_in, out_s, out_c,
              src_v, dst_v, rows_v, ones_v, ytab_sh, acc_sh, cnt_sh,
              sem_g, sem_s, sem_c):
    c = lax.axis_index("c")
    s = lax.axis_index("s")
    with_cnt = c == 0
    pltpu.sync_copy(srcj.at[s], src_v)
    pltpu.sync_copy(dstj.at[s], dst_v)
    pltpu.sync_copy(ones_in, ones_v)

    @pl.when(c == 0)
    def _():
        pltpu.sync_copy(yla.at[pl.ds(s * RT, RT)], ytab_sh.at[pl.ds(s * RT, RT)])

    @pl.when(c == 1)
    def _():
        pltpu.sync_copy(ylb.at[pl.ds(s * RT, RT)], ytab_sh.at[pl.ds(s * RT, RT)])

    pltpu.sync_copy(zrows, acc_sh.at[pl.ds(s * RT, RT)])
    pltpu.sync_copy(zcnt, cnt_sh.at[pl.ds(s * RT, RT)])
    plsc.subcore_barrier()

    for b in range(NBUF):
        pltpu.async_copy(ytab_sh.at[src_v.at[b]], rows_v.at[b], sem_g)

    def step(j, carry):
        b = lax.rem(j, NBUF)
        pltpu.make_async_copy(ytab_sh.at[src_v.at[j]], rows_v.at[b], sem_g).wait()
        pltpu.async_copy(rows_v.at[b], acc_sh.at[dst_v.at[j]], sem_s, add=True)

        @pl.when(with_cnt)
        def _():
            pltpu.async_copy(ones_v, cnt_sh.at[dst_v.at[j]], sem_c, add=True)

        nxt = j + NBUF

        @pl.when(nxt < K2)
        def _():
            pltpu.make_async_copy(rows_v.at[b], acc_sh.at[dst_v.at[j]], sem_s).wait()
            pltpu.async_copy(ytab_sh.at[src_v.at[nxt]], rows_v.at[b], sem_g)

        return carry

    lax.fori_loop(0, K2, step, 0)

    for b in range(NBUF):
        pltpu.make_async_copy(rows_v.at[b], acc_sh.at[dst_v.at[0]], sem_s).wait()

    @pl.when(with_cnt)
    def _():
        def drain(j, carry):
            pltpu.make_async_copy(ones_v, cnt_sh.at[dst_v.at[0]], sem_c).wait()
            return carry

        lax.fori_loop(0, K2, drain, 0)

    plsc.subcore_barrier()
    pltpu.sync_copy(acc_sh.at[pl.ds(s * RT, RT)], out_s.at[c, pl.ds(s * RT, RT)])

    @pl.when(with_cnt)
    def _():
        pltpu.sync_copy(cnt_sh.at[pl.ds(s * RT, RT)], out_c.at[pl.ds(s * RT, RT)])


def _k2_body(s1_ref, cnt_ref, yr_ref, w2_ref, b2_ref, zr_ref):
    ssum = jnp.concatenate([s1_ref[0], s1_ref[1]], axis=1)
    cnt = cnt_ref[...]
    agg = ssum / jnp.maximum(cnt, 1.0)
    h = jnp.maximum(agg + yr_ref[...], 0.0)
    zr_ref[...] = (
        jnp.dot(h, w2_ref[...], preferred_element_type=jnp.float32) + b2_ref[...]
    )


_k2 = pl.pallas_call(
    _k2_body,
    grid=(NP // RB,),
    in_specs=[
        pl.BlockSpec((NC, RB, H2), lambda i: (0, i, 0)),
        pl.BlockSpec((RB, 1), lambda i: (i, 0)),
        pl.BlockSpec((RB, H), lambda i: (i, 0)),
        pl.BlockSpec((H, 128), lambda i: (0, 0)),
        pl.BlockSpec((1, 128), lambda i: (0, 0)),
    ],
    out_specs=pl.BlockSpec((RB, 128), lambda i: (i, 0)),
    out_shape=jax.ShapeDtypeStruct((NP, 128), jnp.float32),
)


@functools.partial(
    pl.kernel,
    out_type=[jax.ShapeDtypeStruct((NC, NP), jnp.float32)],
    mesh=_sc_mesh,
    scratch_types=[
        pltpu.VMEM((K, CH), jnp.int32),
        pltpu.VMEM((K, CH), jnp.int32),
        pltpu.VMEM((NBUF, CH), jnp.float32),
        pltpu.VMEM_SHARED((NP,), jnp.float32),
        pltpu.VMEM_SHARED((NP,), jnp.float32),
        pltpu.SemaphoreType.DMA,
        pltpu.SemaphoreType.DMA,
    ],
    compiler_params=_sc_params,
)
def _sc_pass2(ztab, srcj, dstj, zcnt, out2, src_v, dst_v, vals_v, ztab_sh,
              acc_sh, sem_g, sem_s):
    c = lax.axis_index("c")
    s = lax.axis_index("s")
    pltpu.sync_copy(srcj.at[s, pl.ds(c * K, K)], src_v)
    pltpu.sync_copy(dstj.at[s, pl.ds(c * K, K)], dst_v)
    pltpu.sync_copy(ztab.at[pl.ds(s * RT, RT)], ztab_sh.at[pl.ds(s * RT, RT)])
    pltpu.sync_copy(zcnt, acc_sh.at[pl.ds(s * RT, RT)])
    plsc.subcore_barrier()

    for b in range(NBUF):
        pltpu.async_copy(ztab_sh.at[src_v.at[b]], vals_v.at[b], sem_g)

    def body(j, carry):
        b = lax.rem(j, NBUF)
        pltpu.make_async_copy(ztab_sh.at[src_v.at[j]], vals_v.at[b], sem_g).wait()
        pltpu.async_copy(vals_v.at[b], acc_sh.at[dst_v.at[j]], sem_s, add=True)
        nxt = j + NBUF

        @pl.when(nxt < K)
        def _():
            pltpu.make_async_copy(vals_v.at[b], acc_sh.at[dst_v.at[j]], sem_s).wait()
            pltpu.async_copy(ztab_sh.at[src_v.at[nxt]], vals_v.at[b], sem_g)

        return carry

    lax.fori_loop(0, K, body, 0)
    for b in range(NBUF):
        pltpu.make_async_copy(vals_v.at[b], acc_sh.at[dst_v.at[0]], sem_s).wait()
    plsc.subcore_barrier()
    pltpu.sync_copy(acc_sh.at[pl.ds(s * RT, RT)], out2.at[c, pl.ds(s * RT, RT)])


def _k3_body(s2_ref, cnt_ref, r2_ref, o_ref):
    s2 = s2_ref[0] + s2_ref[1]
    cnt = cnt_ref[...]
    o_ref[...] = s2 / jnp.maximum(cnt, 1.0) + r2_ref[...]


_k3 = pl.pallas_call(
    _k3_body,
    in_specs=[
        pl.BlockSpec((NC, NP // 128, 128), lambda: (0, 0, 0)),
        pl.BlockSpec((NP // 128, 128), lambda: (0, 0)),
        pl.BlockSpec((NP // 128, 128), lambda: (0, 0)),
    ],
    out_specs=pl.BlockSpec((NP // 128, 128), lambda: (0, 0)),
    out_shape=jax.ShapeDtypeStruct((NP // 128, 128), jnp.float32),
)


@jax.jit
def kernel(x, e, W1l, W1r, b1, W2l, W2r, b2):
    x_pad = jnp.pad(x, ((0, NP - N), (0, 0)))
    eint = e.astype(jnp.int32)
    pad_dst = N + jnp.arange(EP - E, dtype=jnp.int32) % (NP - N)
    src = jnp.concatenate([eint[0], jnp.zeros((EP - E,), jnp.int32)])
    dst = jnp.concatenate([eint[1], pad_dst])
    srcj = src.reshape(NS, 2 * K, CH)
    dstj = dst.reshape(NS, 2 * K, CH)

    zrows = jnp.zeros((RT, H2), jnp.float32)
    zcnt = jnp.zeros((RT,), jnp.float32)
    ones_in = jnp.ones((CH,), jnp.float32)

    yla, ylb, yr = _mm1(x_pad, W1l, W1r, b1.reshape(1, H))
    s1, cntp = _sc_pass1(yla, ylb, srcj, dstj, zrows, zcnt, ones_in)

    w2p = jnp.zeros((H, 128), jnp.float32)
    w2p = w2p.at[:, 0].set(W2l[:, 0]).at[:, 1].set(W2r[:, 0])
    bias2 = jnp.zeros((128,), jnp.float32).at[1].set(b2[0]).reshape(1, 128)
    zr = _k2(s1, cntp.reshape(NP, 1), yr, w2p, bias2)

    z = zr[:, 0]
    (s2p,) = _sc_pass2(z, srcj, dstj, zcnt)

    out = _k3(
        s2p.reshape(NC, NP // 128, 128),
        cntp.reshape(NP // 128, 128),
        zr[:, 1].reshape(NP // 128, 128),
    )
    return out.reshape(NP, 1)[:N]

# --- scband reference (transcript-rebuilt; emitter-appended) ---
"""Pipeline reference for scband-sage-base-25804163514761 (READ-ONLY COPY).

The authoritative reference and input builder live on the scoring server;
editing this copy changes nothing except your own understanding.
"""

import jax, jax.numpy as jnp
import numpy as np

N, E, D, H = 10000, 320000, 128, 64

def setup_inputs(seed: int = 0) -> dict:
    key = jax.random.key(seed)
    k1, k2, k3, k4, k5, k6, k7, k8 = jax.random.split(key, 8)
    x = jax.random.normal(k1, (N, D), dtype=jnp.float32)
    e = jax.random.randint(k2, (2, E), 0, N)
    # SAGEConv layer 1: d -> 64 (lin_l on aggregated neighbors w/ bias, lin_r on root, no bias)
    W1l = jax.random.normal(k3, (D, H), dtype=jnp.float32) * (1.0 / np.sqrt(D))
    W1r = jax.random.normal(k4, (D, H), dtype=jnp.float32) * (1.0 / np.sqrt(D))
    b1 = jax.random.normal(k5, (H,), dtype=jnp.float32) * 0.01
    # SAGEConv layer 2: 64 -> 1
    W2l = jax.random.normal(k6, (H, 1), dtype=jnp.float32) * (1.0 / np.sqrt(H))
    W2r = jax.random.normal(k7, (H, 1), dtype=jnp.float32) * (1.0 / np.sqrt(H))
    b2 = jax.random.normal(k8, (1,), dtype=jnp.float32) * 0.01
    return {"x": x, "e": e, "W1l": W1l, "W1r": W1r, "b1": b1, "W2l": W2l, "W2r": W2r, "b2": b2}

def _sage_conv(x, e, Wl, Wr, b):
    # PyG SAGEConv with mean aggregation: out = mean_{j in N(i)} x_j @ Wl + x_i @ Wr + b
    src = e[0]
    dst = e[1]
    n = x.shape[0]
    msg = jnp.take(x, src, axis=0)
    summed = jax.ops.segment_sum(msg, dst, num_segments=n)
    cnt = jax.ops.segment_sum(jnp.ones((e.shape[1], 1), dtype=x.dtype), dst, num_segments=n)
    agg = summed / jnp.maximum(cnt, 1.0)
    return agg @ Wl + x @ Wr + b

def reference(x, e, W1l, W1r, b1, W2l, W2r, b2):
    h = jax.nn.relu(_sage_conv(x, e, W1l, W1r, b1))
    out = _sage_conv(h, e, W2l, W2r, b2)
    return out

if __name__ == "__main__":
    import jax
    _d = setup_inputs()
    print(jax.jit(kernel)(*tuple(_d.values())))

</pallas_src>

<mosaic_0001>
#map = affine_map<(d0, d1) -> (0)>
#map1 = affine_map<(d0, d1) -> (0, 0, 0)>
#map2 = affine_map<(d0, d1) -> (0, 0)>
module attributes {stable_mosaic.version = 14 : i64} {
  func.func @_sc_pass2(%arg0: i32, %arg1: i32, %arg2: memref<10240xf32, #tpu.memory_space<hbm>>, %arg3: memref<16x160x128xi32, #tpu.memory_space<hbm>>, %arg4: memref<16x160x128xi32, #tpu.memory_space<hbm>>, %arg5: memref<640xf32, #tpu.memory_space<hbm>>, %arg6: memref<2x10240xf32, #tpu.memory_space<hbm>>, %arg7: memref<80x128xi32, #tpu.memory_space<vmem>>, %arg8: memref<80x128xi32, #tpu.memory_space<vmem>>, %arg9: memref<4x128xf32, #tpu.memory_space<vmem>>, %arg10: memref<10240xf32, #tpu.memory_space<vmem_shared>>, %arg11: memref<10240xf32, #tpu.memory_space<vmem_shared>>, %arg12: memref<!tpu.dma_semaphore, #tpu.memory_space<semaphore_mem>>, %arg13: memref<!tpu.dma_semaphore, #tpu.memory_space<semaphore_mem>>) attributes {dimension_semantics = [#tpu.dimension_semantics<core_parallel>, #tpu.dimension_semantics<subcore_parallel>], iteration_bounds = array<i64: 2, 16>, scalar_prefetch = 0 : i64, scratch_operands = 7 : i64, tpu.core_type = #tpu.core_type<sc_vector_subcore>, window_params = [{transform_indices = #map}, {transform_indices = #map1}, {transform_indices = #map1}, {transform_indices = #map}, {transform_indices = #map2}]} {
    %mul3A = arith.constant 80 : i32
    %mul3A_0 = arith.muli %arg0, %mul3A : i32
    "tpu.region"() ({
      %run_scoped3A = tpu.sem_alloc : memref<!tpu.dma_semaphore, #tpu.memory_space<semaphore_mem>>
      %dma_start3A_97 = arith.constant 0 : i32
      %dma_start3A_98 = tpu.memref_slice %arg3[%arg1, %mul3A_0, %dma_start3A_97] : memref<16x160x128xi32, #tpu.memory_space<hbm>> -> memref<1x80x128xi32, #tpu.memory_space<hbm>>
      %dma_start3A_99 = tpu.memref_squeeze %dma_start3A_98 : memref<1x80x128xi32, #tpu.memory_space<hbm>> -> memref<80x128xi32, #tpu.memory_space<hbm>>
      %dma_start3A_100 = arith.constant 0 : i32
      %dma_start3A_101 = tpu.memref_slice %arg3[%arg1, %mul3A_0, %dma_start3A_100] : memref<16x160x128xi32, #tpu.memory_space<hbm>> -> memref<1x80x128xi32, #tpu.memory_space<hbm>>
      %dma_start3A_102 = tpu.memref_squeeze %dma_start3A_101 : memref<1x80x128xi32, #tpu.memory_space<hbm>> -> memref<80x128xi32, #tpu.memory_space<hbm>>
      tpu.enqueue_dma source(%dma_start3A_102 : memref<80x128xi32, #tpu.memory_space<hbm>>) target(%arg7 : memref<80x128xi32, #tpu.memory_space<vmem>>) target_semaphore(%run_scoped3A : memref<!tpu.dma_semaphore, #tpu.memory_space<semaphore_mem>>)
      %dma_wait3A_103 = arith.constant 0 : i32
      %dma_wait3A_104 = tpu.memref_slice %arg3[%arg1, %mul3A_0, %dma_wait3A_103] : memref<16x160x128xi32, #tpu.memory_space<hbm>> -> memref<1x80x128xi32, #tpu.memory_space<hbm>>
      %dma_wait3A_105 = tpu.memref_squeeze %dma_wait3A_104 : memref<1x80x128xi32, #tpu.memory_space<hbm>> -> memref<80x128xi32, #tpu.memory_space<hbm>>
      %dma_wait3A_106 = arith.constant 0 : i32
      %dma_wait3A_107 = tpu.memref_slice %arg3[%arg1, %mul3A_0, %dma_wait3A_106] : memref<16x160x128xi32, #tpu.memory_space<hbm>> -> memref<1x80x128xi32, #tpu.memory_space<hbm>>
      %dma_wait3A_108 = tpu.memref_squeeze %dma_wait3A_107 : memref<1x80x128xi32, #tpu.memory_space<hbm>> -> memref<80x128xi32, #tpu.memory_space<hbm>>
      tpu.wait_dma2 semaphore(%run_scoped3A : memref<!tpu.dma_semaphore, #tpu.memory_space<semaphore_mem>>) src(%dma_wait3A_108 : memref<80x128xi32, #tpu.memory_space<hbm>>) dst(%arg7 : memref<80x128xi32, #tpu.memory_space<vmem>>)
      tpu.yield
    }) : () -> ()
    %mul3A_1 = arith.constant 80 : i32
    %mul3A_2 = arith.muli %arg0, %mul3A_1 : i32
    "tpu.region"() ({
      %run_scoped3A = tpu.sem_alloc : memref<!tpu.dma_semaphore, #tpu.memory_space<semaphore_mem>>
      %dma_start3A_97 = arith.constant 0 : i32
      %dma_start3A_98 = tpu.memref_slice %arg4[%arg1, %mul3A_2, %dma_start3A_97] : memref<16x160x128xi32, #tpu.memory_space<hbm>> -> memref<1x80x128xi32, #tpu.memory_space<hbm>>
      %dma_start3A_99 = tpu.memref_squeeze %dma_start3A_98 : memref<1x80x128xi32, #tpu.memory_space<hbm>> -> memref<80x128xi32, #tpu.memory_space<hbm>>
      %dma_start3A_100 = arith.constant 0 : i32
      %dma_start3A_101 = tpu.memref_slice %arg4[%arg1, %mul3A_2, %dma_start3A_100] : memref<16x160x128xi32, #tpu.memory_space<hbm>> -> memref<1x80x128xi32, #tpu.memory_space<hbm>>
      %dma_start3A_102 = tpu.memref_squeeze %dma_start3A_101 : memref<1x80x128xi32, #tpu.memory_space<hbm>> -> memref<80x128xi32, #tpu.memory_space<hbm>>
      tpu.enqueue_dma source(%dma_start3A_102 : memref<80x128xi32, #tpu.memory_space<hbm>>) target(%arg8 : memref<80x128xi32, #tpu.memory_space<vmem>>) target_semaphore(%run_scoped3A : memref<!tpu.dma_semaphore, #tpu.memory_space<semaphore_mem>>)
      %dma_wait3A_103 = arith.constant 0 : i32
      %dma_wait3A_104 = tpu.memref_slice %arg4[%arg1, %mul3A_2, %dma_wait3A_103] : memref<16x160x128xi32, #tpu.memory_space<hbm>> -> memref<1x80x128xi32, #tpu.memory_space<hbm>>
      %dma_wait3A_105 = tpu.memref_squeeze %dma_wait3A_104 : memref<1x80x128xi32, #tpu.memory_space<hbm>> -> memref<80x128xi32, #tpu.memory_space<hbm>>
      %dma_wait3A_106 = arith.constant 0 : i32
      %dma_wait3A_107 = tpu.memref_slice %arg4[%arg1, %mul3A_2, %dma_wait3A_106] : memref<16x160x128xi32, #tpu.memory_space<hbm>> -> memref<1x80x128xi32, #tpu.memory_space<hbm>>
      %dma_wait3A_108 = tpu.memref_squeeze %dma_wait3A_107 : memref<1x80x128xi32, #tpu.memory_space<hbm>> -> memref<80x128xi32, #tpu.memory_space<hbm>>
      tpu.wait_dma2 semaphore(%run_scoped3A : memref<!tpu.dma_semaphore, #tpu.memory_space<semaphore_mem>>) src(%dma_wait3A_108 : memref<80x128xi32, #tpu.memory_space<hbm>>) dst(%arg8 : memref<80x128xi32, #tpu.memory_space<vmem>>)
      tpu.yield
    }) : () -> ()
    %mul3A_3 = arith.constant 640 : i32
    %mul3A_4 = arith.muli %arg1, %mul3A_3 : i32
    %mul3A_5 = arith.constant 640 : i32
    %mul3A_6 = arith.muli %arg1, %mul3A_5 : i32
    "tpu.region"() ({
      %run_scoped3A = tpu.sem_alloc : memref<!tpu.dma_semaphore, #tpu.memory_space<semaphore_mem>>
      %dma_start3A_97 = tpu.memref_slice %arg10[%mul3A_6] : memref<10240xf32, #tpu.memory_space<vmem_shared>> -> memref<640xf32, #tpu.memory_space<vmem_shared>>
      %dma_start3A_98 = tpu.memref_slice %arg2[%mul3A_4] : memref<10240xf32, #tpu.memory_space<hbm>> -> memref<640xf32, #tpu.memory_space<hbm>>
      tpu.enqueue_dma source(%dma_start3A_98 : memref<640xf32, #tpu.memory_space<hbm>>) target(%dma_start3A_97 : memref<640xf32, #tpu.memory_space<vmem_shared>>) target_semaphore(%run_scoped3A : memref<!tpu.dma_semaphore, #tpu.memory_space<semaphore_mem>>)
      %dma_wait3A_99 = tpu.memref_slice %arg10[%mul3A_6] : memref<10240xf32, #tpu.memory_space<vmem_shared>> -> memref<640xf32, #tpu.memory_space<vmem_shared>>
      %dma_wait3A_100 = tpu.memref_slice %arg2[%mul3A_4] : memref<10240xf32, #tpu.memory_space<hbm>> -> memref<640xf32, #tpu.memory_space<hbm>>
      tpu.wait_dma2 semaphore(%run_scoped3A : memref<!tpu.dma_semaphore, #tpu.memory_space<semaphore_mem>>) src(%dma_wait3A_100 : memref<640xf32, #tpu.memory_space<hbm>>) dst(%dma_wait3A_99 : memref<640xf32, #tpu.memory_space<vmem_shared>>)
      tpu.yield
    }) : () -> ()
    %mul3A_7 = arith.constant 640 : i32
    %mul3A_8 = arith.muli %arg1, %mul3A_7 : i32
    "tpu.region"() ({
      %run_scoped3A = tpu.sem_alloc : memref<!tpu.dma_semaphore, #tpu.memory_space<semaphore_mem>>
      %dma_start3A_97 = tpu.memref_slice %arg11[%mul3A_8] : memref<10240xf32, #tpu.memory_space<vmem_shared>> -> memref<640xf32, #tpu.memory_space<vmem_shared>>
      tpu.enqueue_dma source(%arg5 : memref<640xf32, #tpu.memory_space<hbm>>) target(%dma_start3A_97 : memref<640xf32, #tpu.memory_space<vmem_shared>>) target_semaphore(%run_scoped3A : memref<!tpu.dma_semaphore, #tpu.memory_space<semaphore_mem>>)
      %dma_wait3A_98 = tpu.memref_slice %arg11[%mul3A_8] : memref<10240xf32, #tpu.memory_space<vmem_shared>> -> memref<640xf32, #tpu.memory_space<vmem_shared>>
      tpu.wait_dma2 semaphore(%run_scoped3A : memref<!tpu.dma_semaphore, #tpu.memory_space<semaphore_mem>>) src(%arg5 : memref<640xf32, #tpu.memory_space<hbm>>) dst(%dma_wait3A_98 : memref<640xf32, #tpu.memory_space<vmem_shared>>)
      tpu.yield
    }) : () -> ()
    %barrier3A = arith.constant 0 : index
    tpu.barrier barrier_id(%barrier3A)
    %dma_start3A = arith.constant 0 : i32
    %dma_start3A_9 = arith.constant 0 : i32
    %dma_start3A_10 = arith.constant 0 : i32
    %dma_start3A_11 = tpu.memref_slice %arg9[%dma_start3A_9, %dma_start3A_10] : memref<4x128xf32, #tpu.memory_space<vmem>> -> memref<1x128xf32, #tpu.memory_space<vmem>>
    %dma_start3A_12 = tpu.memref_squeeze %dma_start3A_11 : memref<1x128xf32, #tpu.memory_space<vmem>> -> memref<128xf32, #tpu.memory_space<vmem>>
    %dma_start3A_13 = arith.constant 0 : i32
    %dma_start3A_14 = tpu.memref_slice %arg7[%dma_start3A, %dma_start3A_13] : memref<80x128xi32, #tpu.memory_space<vmem>> -> memref<1x128xi32, #tpu.memory_space<vmem>>
    %dma_start3A_15 = tpu.memref_squeeze %dma_start3A_14 : memref<1x128xi32, #tpu.memory_space<vmem>> -> memref<128xi32, #tpu.memory_space<vmem>>
    %dma_start3A_16 = arith.constant 0 : i32
    %dma_start3A_17 = tpu.memref_slice %arg10[%dma_start3A_16] : memref<10240xf32, #tpu.memory_space<vmem_shared>> -> memref<10240xf32, #tpu.memory_space<vmem_shared>>
    tpu.enqueue_indirect_dma source(%dma_start3A_17 : memref<10240xf32, #tpu.memory_space<vmem_shared>>) target(%dma_start3A_12 : memref<128xf32, #tpu.memory_space<vmem>>) offsets(%dma_start3A_15 : memref<128xi32, #tpu.memory_space<vmem>>) semaphore(%arg12 : memref<!tpu.dma_semaphore, #tpu.memory_space<semaphore_mem>>)
    %dma_start3A_18 = arith.constant 1 : i32
    %dma_start3A_19 = arith.constant 1 : i32
    %dma_start3A_20 = arith.constant 0 : i32
    %dma_start3A_21 = tpu.memref_slice %arg9[%dma_start3A_19, %dma_start3A_20] : memref<4x128xf32, #tpu.memory_space<vmem>> -> memref<1x128xf32, #tpu.memory_space<vmem>>
    %dma_start3A_22 = tpu.memref_squeeze %dma_start3A_21 : memref<1x128xf32, #tpu.memory_space<vmem>> -> memref<128xf32, #tpu.memory_space<vmem>>
    %dma_start3A_23 = arith.constant 0 : i32
    %dma_start3A_24 = tpu.memref_slice %arg7[%dma_start3A_18, %dma_start3A_23] : memref<80x128xi32, #tpu.memory_space<vmem>> -> memref<1x128xi32, #tpu.memory_space<vmem>>
    %dma_start3A_25 = tpu.memref_squeeze %dma_start3A_24 : memref<1x128xi32, #tpu.memory_space<vmem>> -> memref<128xi32, #tpu.memory_space<vmem>>
    %dma_start3A_26 = arith.constant 0 : i32
    %dma_start3A_27 = tpu.memref_slice %arg10[%dma_start3A_26] : memref<10240xf32, #tpu.memory_space<vmem_shared>> -> memref<10240xf32, #tpu.memory_space<vmem_shared>>
    tpu.enqueue_indirect_dma source(%dma_start3A_27 : memref<10240xf32, #tpu.memory_space<vmem_shared>>) target(%dma_start3A_22 : memref<128xf32, #tpu.memory_space<vmem>>) offsets(%dma_start3A_25 : memref<128xi32, #tpu.memory_space<vmem>>) semaphore(%arg12 : memref<!tpu.dma_semaphore, #tpu.memory_space<semaphore_mem>>)
    %dma_start3A_28 = arith.constant 2 : i32
    %dma_start3A_29 = arith.constant 2 : i32
    %dma_start3A_30 = arith.constant 0 : i32
    %dma_start3A_31 = tpu.memref_slice %arg9[%dma_start3A_29, %dma_start3A_30] : memref<4x128xf32, #tpu.memory_space<vmem>> -> memref<1x128xf32, #tpu.memory_space<vmem>>
    %dma_start3A_32 = tpu.memref_squeeze %dma_start3A_31 : memref<1x128xf32, #tpu.memory_space<vmem>> -> memref<128xf32, #tpu.memory_space<vmem>>
    %dma_start3A_33 = arith.constant 0 : i32
    %dma_start3A_34 = tpu.memref_slice %arg7[%dma_start3A_28, %dma_start3A_33] : memref<80x128xi32, #tpu.memory_space<vmem>> -> memref<1x128xi32, #tpu.memory_space<vmem>>
    %dma_start3A_35 = tpu.memref_squeeze %dma_start3A_34 : memref<1x128xi32, #tpu.memory_space<vmem>> -> memref<128xi32, #tpu.memory_space<vmem>>
    %dma_start3A_36 = arith.constant 0 : i32
    %dma_start3A_37 = tpu.memref_slice %arg10[%dma_start3A_36] : memref<10240xf32, #tpu.memory_space<vmem_shared>> -> memref<10240xf32, #tpu.memory_space<vmem_shared>>
    tpu.enqueue_indirect_dma source(%dma_start3A_37 : memref<10240xf32, #tpu.memory_space<vmem_shared>>) target(%dma_start3A_32 : memref<128xf32, #tpu.memory_space<vmem>>) offsets(%dma_start3A_35 : memref<128xi32, #tpu.memory_space<vmem>>) semaphore(%arg12 : memref<!tpu.dma_semaphore, #tpu.memory_space<semaphore_mem>>)
    %dma_start3A_38 = arith.constant 3 : i32
    %dma_start3A_39 = arith.constant 3 : i32
    %dma_start3A_40 = arith.constant 0 : i32
    %dma_start3A_41 = tpu.memref_slice %arg9[%dma_start3A_39, %dma_start3A_40] : memref<4x128xf32, #tpu.memory_space<vmem>> -> memref<1x128xf32, #tpu.memory_space<vmem>>
    %dma_start3A_42 = tpu.memref_squeeze %dma_start3A_41 : memref<1x128xf32, #tpu.memory_space<vmem>> -> memref<128xf32, #tpu.memory_space<vmem>>
    %dma_start3A_43 = arith.constant 0 : i32
    %dma_start3A_44 = tpu.memref_slice %arg7[%dma_start3A_38, %dma_start3A_43] : memref<80x128xi32, #tpu.memory_space<vmem>> -> memref<1x128xi32, #tpu.memory_space<vmem>>
    %dma_start3A_45 = tpu.memref_squeeze %dma_start3A_44 : memref<1x128xi32, #tpu.memory_space<vmem>> -> memref<128xi32, #tpu.memory_space<vmem>>
    %dma_start3A_46 = arith.constant 0 : i32
    %dma_start3A_47 = tpu.memref_slice %arg10[%dma_start3A_46] : memref<10240xf32, #tpu.memory_space<vmem_shared>> -> memref<10240xf32, #tpu.memory_space<vmem_shared>>
    tpu.enqueue_indirect_dma source(%dma_start3A_47 : memref<10240xf32, #tpu.memory_space<vmem_shared>>) target(%dma_start3A_42 : memref<128xf32, #tpu.memory_space<vmem>>) offsets(%dma_start3A_45 : memref<128xi32, #tpu.memory_space<vmem>>) semaphore(%arg12 : memref<!tpu.dma_semaphore, #tpu.memory_space<semaphore_mem>>)
    %scan3A = arith.constant 0 : i32
    %scan3A_48 = arith.constant 0 : i32
    %scan3A_49 = arith.constant 80 : i32
    %scan3A_50 = arith.addi %scan3A_48, %scan3A_49 : i32
    %scan3A_51 = arith.constant 1 : i32
    scf.for %scan3A_97 = %scan3A_48 to %scan3A_50 step %scan3A_51  : i32 {
      %rem3A = arith.constant 4 : i32
      %rem3A_98 = arith.remsi %scan3A_97, %rem3A : i32
      %dma_wait3A_99 = arith.constant 0 : i32
      %dma_wait3A_100 = tpu.memref_slice %arg9[%rem3A_98, %dma_wait3A_99] : memref<4x128xf32, #tpu.memory_space<vmem>> -> memref<1x128xf32, #tpu.memory_space<vmem>>
      %dma_wait3A_101 = tpu.memref_squeeze %dma_wait3A_100 : memref<1x128xf32, #tpu.memory_space<vmem>> -> memref<128xf32, #tpu.memory_space<vmem>>
      %dma_wait3A_102 = arith.constant 0 : i32
      %dma_wait3A_103 = tpu.memref_slice %arg7[%scan3A_97, %dma_wait3A_102] : memref<80x128xi32, #tpu.memory_space<vmem>> -> memref<1x128xi32, #tpu.memory_space<vmem>>
      %dma_wait3A_104 = tpu.memref_squeeze %dma_wait3A_103 : memref<1x128xi32, #tpu.memory_space<vmem>> -> memref<128xi32, #tpu.memory_space<vmem>>
      %dma_wait3A_105 = arith.constant 0 : i32
      %dma_wait3A_106 = tpu.memref_slice %arg10[%dma_wait3A_105] : memref<10240xf32, #tpu.memory_space<vmem_shared>> -> memref<10240xf32, #tpu.memory_space<vmem_shared>>
      tpu.wait_indirect_dma semaphore(%arg12 : memref<!tpu.dma_semaphore, #tpu.memory_space<semaphore_mem>>) src(%dma_wait3A_106 : memref<10240xf32, #tpu.memory_space<vmem_shared>>) dst(%dma_wait3A_101 : memref<128xf32, #tpu.memory_space<vmem>>)
      %dma_start3A_107 = arith.constant 0 : i32
      %dma_start3A_108 = tpu.memref_slice %arg9[%rem3A_98, %dma_start3A_107] : memref<4x128xf32, #tpu.memory_space<vmem>> -> memref<1x128xf32, #tpu.memory_space<vmem>>
      %dma_start3A_109 = tpu.memref_squeeze %dma_start3A_108 : memref<1x128xf32, #tpu.memory_space<vmem>> -> memref<128xf32, #tpu.memory_space<vmem>>
      %dma_start3A_110 = arith.constant 0 : i32
      %dma_start3A_111 = tpu.memref_slice %arg8[%scan3A_97, %dma_start3A_110] : memref<80x128xi32, #tpu.memory_space<vmem>> -> memref<1x128xi32, #tpu.memory_space<vmem>>
      %dma_start3A_112 = tpu.memref_squeeze %dma_start3A_111 : memref<1x128xi32, #tpu.memory_space<vmem>> -> memref<128xi32, #tpu.memory_space<vmem>>
      %dma_start3A_113 = arith.constant 0 : i32
      %dma_start3A_114 = tpu.memref_slice %arg11[%dma_start3A_113] : memref<10240xf32, #tpu.memory_space<vmem_shared>> -> memref<10240xf32, #tpu.memory_space<vmem_shared>>
      tpu.enqueue_indirect_dma source(%dma_start3A_109 : memref<128xf32, #tpu.memory_space<vmem>>) target(%dma_start3A_114 : memref<10240xf32, #tpu.memory_space<vmem_shared>>) offsets(%dma_start3A_112 : memref<128xi32, #tpu.memory_space<vmem>>) semaphore(%arg13 : memref<!tpu.dma_semaphore, #tpu.memory_space<semaphore_mem>>) {add = true}
      %add3A = arith.constant 4 : i32
      %add3A_115 = arith.addi %scan3A_97, %add3A : i32
      %lt3A = arith.constant 80 : i32
      %lt3A_116 = arith.cmpi slt, %add3A_115, %lt3A : i32
      %convert_element_type3A = arith.extui %lt3A_116 : i1 to i32
      %cond3A = arith.constant 0 : i32
      %cond3A_117 = arith.cmpi ne, %convert_element_type3A, %cond3A : i32
      scf.if %cond3A_117 {
        %dma_wait3A_118 = arith.constant 0 : i32
        %dma_wait3A_119 = tpu.memref_slice %arg9[%rem3A_98, %dma_wait3A_118] : memref<4x128xf32, #tpu.memory_space<vmem>> -> memref<1x128xf32, #tpu.memory_space<vmem>>
        %dma_wait3A_120 = tpu.memref_squeeze %dma_wait3A_119 : memref<1x128xf32, #tpu.memory_space<vmem>> -> memref<128xf32, #tpu.memory_space<vmem>>
        %dma_wait3A_121 = arith.constant 0 : i32
        %dma_wait3A_122 = tpu.memref_slice %arg8[%scan3A_97, %dma_wait3A_121] : memref<80x128xi32, #tpu.memory_space<vmem>> -> memref<1x128xi32, #tpu.memory_space<vmem>>
        %dma_wait3A_123 = tpu.memref_squeeze %dma_wait3A_122 : memref<1x128xi32, #tpu.memory_space<vmem>> -> memref<128xi32, #tpu.memory_space<vmem>>
        %dma_wait3A_124 = arith.constant 0 : i32
        %dma_wait3A_125 = tpu.memref_slice %arg11[%dma_wait3A_124] : memref<10240xf32, #tpu.memory_space<vmem_shared>> -> memref<10240xf32, #tpu.memory_space<vmem_shared>>
        tpu.wait_indirect_dma semaphore(%arg13 : memref<!tpu.dma_semaphore, #tpu.memory_space<semaphore_mem>>) src(%dma_wait3A_120 : memref<128xf32, #tpu.memory_space<vmem>>) dst(%dma_wait3A_125 : memref<10240xf32, #tpu.memory_space<vmem_shared>>)
        %dma_start3A_126 = arith.constant 0 : i32
        %dma_start3A_127 = tpu.memref_slice %arg9[%rem3A_98, %dma_start3A_126] : memref<4x128xf32, #tpu.memory_space<vmem>> -> memref<1x128xf32, #tpu.memory_space<vmem>>
        %dma_start3A_128 = tpu.memref_squeeze %dma_start3A_127 : memref<1x128xf32, #tpu.memory_space<vmem>> -> memref<128xf32, #tpu.memory_space<vmem>>
        %dma_start3A_129 = arith.constant 0 : i32
        %dma_start3A_130 = tpu.memref_slice %arg7[%add3A_115, %dma_start3A_129] : memref<80x128xi32, #tpu.memory_space<vmem>> -> memref<1x128xi32, #tpu.memory_space<vmem>>
        %dma_start3A_131 = tpu.memref_squeeze %dma_start3A_130 : memref<1x128xi32, #tpu.memory_space<vmem>> -> memref<128xi32, #tpu.memory_space<vmem>>
        %dma_start3A_132 = arith.constant 0 : i32
        %dma_start3A_133 = tpu.memref_slice %arg10[%dma_start3A_132] : memref<10240xf32, #tpu.memory_space<vmem_shared>> -> memref<10240xf32, #tpu.memory_space<vmem_shared>>
        tpu.enqueue_indirect_dma source(%dma_start3A_133 : memref<10240xf32, #tpu.memory_space<vmem_shared>>) target(%dma_start3A_128 : memref<128xf32, #tpu.memory_space<vmem>>) offsets(%dma_start3A_131 : memref<128xi32, #tpu.memory_space<vmem>>) semaphore(%arg12 : memref<!tpu.dma_semaphore, #tpu.memory_space<semaphore_mem>>)
      } else {
      }
    }
    %scan3A_52 = arith.constant 80 : i32
    %dma_wait3A = arith.constant 0 : i32
    %dma_wait3A_53 = arith.constant 0 : i32
    %dma_wait3A_54 = arith.constant 0 : i32
    %dma_wait3A_55 = tpu.memref_slice %arg9[%dma_wait3A, %dma_wait3A_54] : memref<4x128xf32, #tpu.memory_space<vmem>> -> memref<1x128xf32, #tpu.memory_space<vmem>>
    %dma_wait3A_56 = tpu.memref_squeeze %dma_wait3A_55 : memref<1x128xf32, #tpu.memory_space<vmem>> -> memref<128xf32, #tpu.memory_space<vmem>>
    %dma_wait3A_57 = arith.constant 0 : i32
    %dma_wait3A_58 = tpu.memref_slice %arg8[%dma_wait3A_53, %dma_wait3A_57] : memref<80x128xi32, #tpu.memory_space<vmem>> -> memref<1x128xi32, #tpu.memory_space<vmem>>
    %dma_wait3A_59 = tpu.memref_squeeze %dma_wait3A_58 : memref<1x128xi32, #tpu.memory_space<vmem>> -> memref<128xi32, #tpu.memory_space<vmem>>
    %dma_wait3A_60 = arith.constant 0 : i32
    %dma_wait3A_61 = tpu.memref_slice %arg11[%dma_wait3A_60] : memref<10240xf32, #tpu.memory_space<vmem_shared>> -> memref<10240xf32, #tpu.memory_space<vmem_shared>>
    tpu.wait_indirect_dma semaphore(%arg13 : memref<!tpu.dma_semaphore, #tpu.memory_space<semaphore_mem>>) src(%dma_wait3A_56 : memref<128xf32, #tpu.memory_space<vmem>>) dst(%dma_wait3A_61 : memref<10240xf32, #tpu.memory_space<vmem_shared>>)
    %dma_wait3A_62 = arith.constant 1 : i32
    %dma_wait3A_63 = arith.constant 0 : i32
    %dma_wait3A_64 = arith.constant 0 : i32
    %dma_wait3A_65 = tpu.memref_slice %arg9[%dma_wait3A_62, %dma_wait3A_64] : memref<4x128xf32, #tpu.memory_space<vmem>> -> memref<1x128xf32, #tpu.memory_space<vmem>>
    %dma_wait3A_66 = tpu.memref_squeeze %dma_wait3A_65 : memref<1x128xf32, #tpu.memory_space<vmem>> -> memref<128xf32, #tpu.memory_space<vmem>>
    %dma_wait3A_67 = arith.constant 0 : i32
    %dma_wait3A_68 = tpu.memref_slice %arg8[%dma_wait3A_63, %dma_wait3A_67] : memref<80x128xi32, #tpu.memory_space<vmem>> -> memref<1x128xi32, #tpu.memory_space<vmem>>
    %dma_wait3A_69 = tpu.memref_squeeze %dma_wait3A_68 : memref<1x128xi32, #tpu.memory_space<vmem>> -> memref<128xi32, #tpu.memory_space<vmem>>
    %dma_wait3A_70 = arith.constant 0 : i32
    %dma_wait3A_71 = tpu.memref_slice %arg11[%dma_wait3A_70] : memref<10240xf32, #tpu.memory_space<vmem_shared>> -> memref<10240xf32, #tpu.memory_space<vmem_shared>>
    tpu.wait_indirect_dma semaphore(%arg13 : memref<!tpu.dma_semaphore, #tpu.memory_space<semaphore_mem>>) src(%dma_wait3A_66 : memref<128xf32, #tpu.memory_space<vmem>>) dst(%dma_wait3A_71 : memref<10240xf32, #tpu.memory_space<vmem_shared>>)
    %dma_wait3A_72 = arith.constant 2 : i32
    %dma_wait3A_73 = arith.constant 0 : i32
    %dma_wait3A_74 = arith.constant 0 : i32
    %dma_wait3A_75 = tpu.memref_slice %arg9[%dma_wait3A_72, %dma_wait3A_74] : memref<4x128xf32, #tpu.memory_space<vmem>> -> memref<1x128xf32, #tpu.memory_space<vmem>>
    %dma_wait3A_76 = tpu.memref_squeeze %dma_wait3A_75 : memref<1x128xf32, #tpu.memory_space<vmem>> -> memref<128xf32, #tpu.memory_space<vmem>>
    %dma_wait3A_77 = arith.constant 0 : i32
    %dma_wait3A_78 = tpu.memref_slice %arg8[%dma_wait3A_73, %dma_wait3A_77] : memref<80x128xi32, #tpu.memory_space<vmem>> -> memref<1x128xi32, #tpu.memory_space<vmem>>
    %dma_wait3A_79 = tpu.memref_squeeze %dma_wait3A_78 : memref<1x128xi32, #tpu.memory_space<vmem>> -> memref<128xi32, #tpu.memory_space<vmem>>
    %dma_wait3A_80 = arith.constant 0 : i32
    %dma_wait3A_81 = tpu.memref_slice %arg11[%dma_wait3A_80] : memref<10240xf32, #tpu.memory_space<vmem_shared>> -> memref<10240xf32, #tpu.memory_space<vmem_shared>>
    tpu.wait_indirect_dma semaphore(%arg13 : memref<!tpu.dma_semaphore, #tpu.memory_space<semaphore_mem>>) src(%dma_wait3A_76 : memref<128xf32, #tpu.memory_space<vmem>>) dst(%dma_wait3A_81 : memref<10240xf32, #tpu.memory_space<vmem_shared>>)
    %dma_wait3A_82 = arith.constant 3 : i32
    %dma_wait3A_83 = arith.constant 0 : i32
    %dma_wait3A_84 = arith.constant 0 : i32
    %dma_wait3A_85 = tpu.memref_slice %arg9[%dma_wait3A_82, %dma_wait3A_84] : memref<4x128xf32, #tpu.memory_space<vmem>> -> memref<1x128xf32, #tpu.memory_space<vmem>>
    %dma_wait3A_86 = tpu.memref_squeeze %dma_wait3A_85 : memref<1x128xf32, #tpu.memory_space<vmem>> -> memref<128xf32, #tpu.memory_space<vmem>>
    %dma_wait3A_87 = arith.constant 0 : i32
    %dma_wait3A_88 = tpu.memref_slice %arg8[%dma_wait3A_83, %dma_wait3A_87] : memref<80x128xi32, #tpu.memory_space<vmem>> -> memref<1x128xi32, #tpu.memory_space<vmem>>
    %dma_wait3A_89 = tpu.memref_squeeze %dma_wait3A_88 : memref<1x128xi32, #tpu.memory_space<vmem>> -> memref<128xi32, #tpu.memory_space<vmem>>
    %dma_wait3A_90 = arith.constant 0 : i32
    %dma_wait3A_91 = tpu.memref_slice %arg11[%dma_wait3A_90] : memref<10240xf32, #tpu.memory_space<vmem_shared>> -> memref<10240xf32, #tpu.memory_space<vmem_shared>>
    tpu.wait_indirect_dma semaphore(%arg13 : memref<!tpu.dma_semaphore, #tpu.memory_space<semaphore_mem>>) src(%dma_wait3A_86 : memref<128xf32, #tpu.memory_space<vmem>>) dst(%dma_wait3A_91 : memref<10240xf32, #tpu.memory_space<vmem_shared>>)
    %barrier3A_92 = arith.constant 0 : index
    tpu.barrier barrier_id(%barrier3A_92)
    %mul3A_93 = arith.constant 640 : i32
    %mul3A_94 = arith.muli %arg1, %mul3A_93 : i32
    %mul3A_95 = arith.constant 640 : i32
    %mul3A_96 = arith.muli %arg1, %mul3A_95 : i32
    "tpu.region"() ({
      %run_scoped3A = tpu.sem_alloc : memref<!tpu.dma_semaphore, #tpu.memory_space<semaphore_mem>>
      %dma_start3A_97 = tpu.memref_slice %arg6[%arg0, %mul3A_96] : memref<2x10240xf32, #tpu.memory_space<hbm>> -> memref<1x640xf32, #tpu.memory_space<hbm>>
      %dma_start3A_98 = tpu.memref_squeeze %dma_start3A_97 : memref<1x640xf32, #tpu.memory_space<hbm>> -> memref<640xf32, #tpu.memory_space<hbm>>
      %dma_start3A_99 = tpu.memref_slice %arg11[%mul3A_94] : memref<10240xf32, #tpu.memory_space<vmem_shared>> -> memref<640xf32, #tpu.memory_space<vmem_shared>>
      tpu.enqueue_dma source(%dma_start3A_99 : memref<640xf32, #tpu.memory_space<vmem_shared>>) target(%dma_start3A_98 : memref<640xf32, #tpu.memory_space<hbm>>) target_semaphore(%run_scoped3A : memref<!tpu.dma_semaphore, #tpu.memory_space<semaphore_mem>>)
      %dma_wait3A_100 = tpu.memref_slice %arg6[%arg0, %mul3A_96] : memref<2x10240xf32, #tpu.memory_space<hbm>> -> memref<1x640xf32, #tpu.memory_space<hbm>>
      %dma_wait3A_101 = tpu.memref_squeeze %dma_wait3A_100 : memref<1x640xf32, #tpu.memory_space<hbm>> -> memref<640xf32, #tpu.memory_space<hbm>>
      %dma_wait3A_102 = tpu.memref_slice %arg11[%mul3A_94] : memref<10240xf32, #tpu.memory_space<vmem_shared>> -> memref<640xf32, #tpu.memory_space<vmem_shared>>
      tpu.wait_dma2 semaphore(%run_scoped3A : memref<!tpu.dma_semaphore, #tpu.memory_space<semaphore_mem>>) src(%dma_wait3A_102 : memref<640xf32, #tpu.memory_space<vmem_shared>>) dst(%dma_wait3A_101 : memref<640xf32, #tpu.memory_space<hbm>>)
      tpu.yield
    }) : () -> ()
    return
  }
}

#map = affine_map<(d0, d1) -> (0, 0)>
#map1 = affine_map<(d0, d1) -> (0, 0, 0)>
#map2 = affine_map<(d0, d1) -> (0)>
module attributes {stable_mosaic.version = 14 : i64} {
  func.func @_sc_pass1(%arg0: i32, %arg1: i32, %arg2: memref<10240x32xf32, #tpu.memory_space<hbm>>, %arg3: memref<10240x32xf32, #tpu.memory_space<hbm>>, %arg4: memref<16x160x128xi32, #tpu.memory_space<hbm>>, %arg5: memref<16x160x128xi32, #tpu.memory_space<hbm>>, %arg6: memref<640x32xf32, #tpu.memory_space<hbm>>, %arg7: memref<640xf32, #tpu.memory_space<hbm>>, %arg8: memref<128xf32, #tpu.memory_space<hbm>>, %arg9: memref<2x10240x32xf32, #tpu.memory_space<hbm>>, %arg10: memref<10240xf32, #tpu.memory_space<hbm>>, %arg11: memref<160x128xi32, #tpu.memory_space<vmem>>, %arg12: memref<160x128xi32, #tpu.memory_space<vmem>>, %arg13: memref<4x128x32xf32, #tpu.memory_space<vmem>>, %arg14: memref<128xf32, #tpu.memory_space<vmem>>, %arg15: memref<10240x32xf32, #tpu.memory_space<vmem_shared>>, %arg16: memref<10240x32xf32, #tpu.memory_space<vmem_shared>>, %arg17: memref<10240xf32, #tpu.memory_space<vmem_shared>>, %arg18: memref<!tpu.dma_semaphore, #tpu.memory_space<semaphore_mem>>, %arg19: memref<!tpu.dma_semaphore, #tpu.memory_space<semaphore_mem>>, %arg20: memref<!tpu.dma_semaphore, #tpu.memory_space<semaphore_mem>>) attributes {dimension_semantics = [#tpu.dimension_semantics<core_parallel>, #tpu.dimension_semantics<subcore_parallel>], iteration_bounds = array<i64: 2, 16>, scalar_prefetch = 0 : i64, scratch_operands = 10 : i64, tpu.core_type = #tpu.core_type<sc_vector_subcore>, window_params = [{transform_indices = #map}, {transform_indices = #map}, {transform_indices = #map1}, {transform_indices = #map1}, {transform_indices = #map}, {transform_indices = #map2}, {transform_indices = #map2}, {transform_indices = #map1}, {transform_indices = #map2}]} {
    %eq3A = arith.constant 0 : i32
    %eq3A_0 = arith.cmpi eq, %arg0, %eq3A : i32
    "tpu.region"() ({
      %run_scoped3A = tpu.sem_alloc : memref<!tpu.dma_semaphore, #tpu.memory_space<semaphore_mem>>
      %dma_start3A_122 = arith.constant 0 : i32
      %dma_start3A_123 = arith.constant 0 : i32
      %dma_start3A_124 = tpu.memref_slice %arg4[%arg1, %dma_start3A_122, %dma_start3A_123] : memref<16x160x128xi32, #tpu.memory_space<hbm>> -> memref<1x160x128xi32, #tpu.memory_space<hbm>>
      %dma_start3A_125 = tpu.memref_squeeze %dma_start3A_124 : memref<1x160x128xi32, #tpu.memory_space<hbm>> -> memref<160x128xi32, #tpu.memory_space<hbm>>
      %dma_start3A_126 = arith.constant 0 : i32
      %dma_start3A_127 = arith.constant 0 : i32
      %dma_start3A_128 = tpu.memref_slice %arg4[%arg1, %dma_start3A_126, %dma_start3A_127] : memref<16x160x128xi32, #tpu.memory_space<hbm>> -> memref<1x160x128xi32, #tpu.memory_space<hbm>>
      %dma_start3A_129 = tpu.memref_squeeze %dma_start3A_128 : memref<1x160x128xi32, #tpu.memory_space<hbm>> -> memref<160x128xi32, #tpu.memory_space<hbm>>
      tpu.enqueue_dma source(%dma_start3A_129 : memref<160x128xi32, #tpu.memory_space<hbm>>) target(%arg11 : memref<160x128xi32, #tpu.memory_space<vmem>>) target_semaphore(%run_scoped3A : memref<!tpu.dma_semaphore, #tpu.memory_space<semaphore_mem>>)
      %dma_wait3A_130 = arith.constant 0 : i32
      %dma_wait3A_131 = arith.constant 0 : i32
      %dma_wait3A_132 = tpu.memref_slice %arg4[%arg1, %dma_wait3A_130, %dma_wait3A_131] : memref<16x160x128xi32, #tpu.memory_space<hbm>> -> memref<1x160x128xi32, #tpu.memory_space<hbm>>
      %dma_wait3A_133 = tpu.memref_squeeze %dma_wait3A_132 : memref<1x160x128xi32, #tpu.memory_space<hbm>> -> memref<160x128xi32, #tpu.memory_space<hbm>>
      %dma_wait3A_134 = arith.constant 0 : i32
      %dma_wait3A_135 = arith.constant 0 : i32
      %dma_wait3A_136 = tpu.memref_slice %arg4[%arg1, %dma_wait3A_134, %dma_wait3A_135] : memref<16x160x128xi32, #tpu.memory_space<hbm>> -> memref<1x160x128xi32, #tpu.memory_space<hbm>>
      %dma_wait3A_137 = tpu.memref_squeeze %dma_wait3A_136 : memref<1x160x128xi32, #tpu.memory_space<hbm>> -> memref<160x128xi32, #tpu.memory_space<hbm>>
      tpu.wait_dma2 semaphore(%run_scoped3A : memref<!tpu.dma_semaphore, #tpu.memory_space<semaphore_mem>>) src(%dma_wait3A_137 : memref<160x128xi32, #tpu.memory_space<hbm>>) dst(%arg11 : memref<160x128xi32, #tpu.memory_space<vmem>>)
      tpu.yield
    }) : () -> ()
    "tpu.region"() ({
      %run_scoped3A = tpu.sem_alloc : memref<!tpu.dma_semaphore, #tpu.memory_space<semaphore_mem>>
      %dma_start3A_122 = arith.constant 0 : i32
      %dma_start3A_123 = arith.constant 0 : i32
      %dma_start3A_124 = tpu.memref_slice %arg5[%arg1, %dma_start3A_122, %dma_start3A_123] : memref<16x160x128xi32, #tpu.memory_space<hbm>> -> memref<1x160x128xi32, #tpu.memory_space<hbm>>
      %dma_start3A_125 = tpu.memref_squeeze %dma_start3A_124 : memref<1x160x128xi32, #tpu.memory_space<hbm>> -> memref<160x128xi32, #tpu.memory_space<hbm>>
      %dma_start3A_126 = arith.constant 0 : i32
      %dma_start3A_127 = arith.constant 0 : i32
      %dma_start3A_128 = tpu.memref_slice %arg5[%arg1, %dma_start3A_126, %dma_start3A_127] : memref<16x160x128xi32, #tpu.memory_space<hbm>> -> memref<1x160x128xi32, #tpu.memory_space<hbm>>
      %dma_start3A_129 = tpu.memref_squeeze %dma_start3A_128 : memref<1x160x128xi32, #tpu.memory_space<hbm>> -> memref<160x128xi32, #tpu.memory_space<hbm>>
      tpu.enqueue_dma source(%dma_start3A_129 : memref<160x128xi32, #tpu.memory_space<hbm>>) target(%arg12 : memref<160x128xi32, #tpu.memory_space<vmem>>) target_semaphore(%run_scoped3A : memref<!tpu.dma_semaphore, #tpu.memory_space<semaphore_mem>>)
      %dma_wait3A_130 = arith.constant 0 : i32
      %dma_wait3A_131 = arith.constant 0 : i32
      %dma_wait3A_132 = tpu.memref_slice %arg5[%arg1, %dma_wait3A_130, %dma_wait3A_131] : memref<16x160x128xi32, #tpu.memory_space<hbm>> -> memref<1x160x128xi32, #tpu.memory_space<hbm>>
      %dma_wait3A_133 = tpu.memref_squeeze %dma_wait3A_132 : memref<1x160x128xi32, #tpu.memory_space<hbm>> -> memref<160x128xi32, #tpu.memory_space<hbm>>
      %dma_wait3A_134 = arith.constant 0 : i32
      %dma_wait3A_135 = arith.constant 0 : i32
      %dma_wait3A_136 = tpu.memref_slice %arg5[%arg1, %dma_wait3A_134, %dma_wait3A_135] : memref<16x160x128xi32, #tpu.memory_space<hbm>> -> memref<1x160x128xi32, #tpu.memory_space<hbm>>
      %dma_wait3A_137 = tpu.memref_squeeze %dma_wait3A_136 : memref<1x160x128xi32, #tpu.memory_space<hbm>> -> memref<160x128xi32, #tpu.memory_space<hbm>>
      tpu.wait_dma2 semaphore(%run_scoped3A : memref<!tpu.dma_semaphore, #tpu.memory_space<semaphore_mem>>) src(%dma_wait3A_137 : memref<160x128xi32, #tpu.memory_space<hbm>>) dst(%arg12 : memref<160x128xi32, #tpu.memory_space<vmem>>)
      tpu.yield
    }) : () -> ()
    "tpu.region"() ({
      %run_scoped3A = tpu.sem_alloc : memref<!tpu.dma_semaphore, #tpu.memory_space<semaphore_mem>>
      tpu.enqueue_dma source(%arg8 : memref<128xf32, #tpu.memory_space<hbm>>) target(%arg14 : memref<128xf32, #tpu.memory_space<vmem>>) target_semaphore(%run_scoped3A : memref<!tpu.dma_semaphore, #tpu.memory_space<semaphore_mem>>)
      tpu.wait_dma2 semaphore(%run_scoped3A : memref<!tpu.dma_semaphore, #tpu.memory_space<semaphore_mem>>) src(%arg8 : memref<128xf32, #tpu.memory_space<hbm>>) dst(%arg14 : memref<128xf32, #tpu.memory_space<vmem>>)
      tpu.yield
    }) : () -> ()
    %eq3A_1 = arith.constant 0 : i32
    %eq3A_2 = arith.cmpi eq, %arg0, %eq3A_1 : i32
    %convert_element_type3A = arith.extui %eq3A_2 : i1 to i32
    %cond3A = arith.constant 0 : i32
    %cond3A_3 = arith.cmpi ne, %convert_element_type3A, %cond3A : i32
    scf.if %cond3A_3 {
      %mul3A_122 = arith.constant 640 : i32
      %mul3A_123 = arith.muli %arg1, %mul3A_122 : i32
      %mul3A_124 = arith.constant 640 : i32
      %mul3A_125 = arith.muli %arg1, %mul3A_124 : i32
      "tpu.region"() ({
        %run_scoped3A = tpu.sem_alloc : memref<!tpu.dma_semaphore, #tpu.memory_space<semaphore_mem>>
        %dma_start3A_126 = arith.constant 0 : i32
        %dma_start3A_127 = tpu.memref_slice %arg15[%mul3A_125, %dma_start3A_126] : memref<10240x32xf32, #tpu.memory_space<vmem_shared>> -> memref<640x32xf32, #tpu.memory_space<vmem_shared>>
        %dma_start3A_128 = arith.constant 0 : i32
        %dma_start3A_129 = tpu.memref_slice %arg2[%mul3A_123, %dma_start3A_128] : memref<10240x32xf32, #tpu.memory_space<hbm>> -> memref<640x32xf32, #tpu.memory_space<hbm>>
        tpu.enqueue_dma source(%dma_start3A_129 : memref<640x32xf32, #tpu.memory_space<hbm>>) target(%dma_start3A_127 : memref<640x32xf32, #tpu.memory_space<vmem_shared>>) target_semaphore(%run_scoped3A : memref<!tpu.dma_semaphore, #tpu.memory_space<semaphore_mem>>)
        %dma_wait3A_130 = arith.constant 0 : i32
        %dma_wait3A_131 = tpu.memref_slice %arg15[%mul3A_125, %dma_wait3A_130] : memref<10240x32xf32, #tpu.memory_space<vmem_shared>> -> memref<640x32xf32, #tpu.memory_space<vmem_shared>>
        %dma_wait3A_132 = arith.constant 0 : i32
        %dma_wait3A_133 = tpu.memref_slice %arg2[%mul3A_123, %dma_wait3A_132] : memref<10240x32xf32, #tpu.memory_space<hbm>> -> memref<640x32xf32, #tpu.memory_space<hbm>>
        tpu.wait_dma2 semaphore(%run_scoped3A : memref<!tpu.dma_semaphore, #tpu.memory_space<semaphore_mem>>) src(%dma_wait3A_133 : memref<640x32xf32, #tpu.memory_space<hbm>>) dst(%dma_wait3A_131 : memref<640x32xf32, #tpu.memory_space<vmem_shared>>)
        tpu.yield
      }) : () -> ()
    } else {
    }
    %eq3A_4 = arith.constant 1 : i32
    %eq3A_5 = arith.cmpi eq, %arg0, %eq3A_4 : i32
    %convert_element_type3A_6 = arith.extui %eq3A_5 : i1 to i32
    %cond3A_7 = arith.constant 0 : i32
    %cond3A_8 = arith.cmpi ne, %convert_element_type3A_6, %cond3A_7 : i32
    scf.if %cond3A_8 {
      %mul3A_122 = arith.constant 640 : i32
      %mul3A_123 = arith.muli %arg1, %mul3A_122 : i32
      %mul3A_124 = arith.constant 640 : i32
      %mul3A_125 = arith.muli %arg1, %mul3A_124 : i32
      "tpu.region"() ({
        %run_scoped3A = tpu.sem_alloc : memref<!tpu.dma_semaphore, #tpu.memory_space<semaphore_mem>>
        %dma_start3A_126 = arith.constant 0 : i32
        %dma_start3A_127 = tpu.memref_slice %arg15[%mul3A_125, %dma_start3A_126] : memref<10240x32xf32, #tpu.memory_space<vmem_shared>> -> memref<640x32xf32, #tpu.memory_space<vmem_shared>>
        %dma_start3A_128 = arith.constant 0 : i32
        %dma_start3A_129 = tpu.memref_slice %arg3[%mul3A_123, %dma_start3A_128] : memref<10240x32xf32, #tpu.memory_space<hbm>> -> memref<640x32xf32, #tpu.memory_space<hbm>>
        tpu.enqueue_dma source(%dma_start3A_129 : memref<640x32xf32, #tpu.memory_space<hbm>>) target(%dma_start3A_127 : memref<640x32xf32, #tpu.memory_space<vmem_shared>>) target_semaphore(%run_scoped3A : memref<!tpu.dma_semaphore, #tpu.memory_space<semaphore_mem>>)
        %dma_wait3A_130 = arith.constant 0 : i32
        %dma_wait3A_131 = tpu.memref_slice %arg15[%mul3A_125, %dma_wait3A_130] : memref<10240x32xf32, #tpu.memory_space<vmem_shared>> -> memref<640x32xf32, #tpu.memory_space<vmem_shared>>
        %dma_wait3A_132 = arith.constant 0 : i32
        %dma_wait3A_133 = tpu.memref_slice %arg3[%mul3A_123, %dma_wait3A_132] : memref<10240x32xf32, #tpu.memory_space<hbm>> -> memref<640x32xf32, #tpu.memory_space<hbm>>
        tpu.wait_dma2 semaphore(%run_scoped3A : memref<!tpu.dma_semaphore, #tpu.memory_space<semaphore_mem>>) src(%dma_wait3A_133 : memref<640x32xf32, #tpu.memory_space<hbm>>) dst(%dma_wait3A_131 : memref<640x32xf32, #tpu.memory_space<vmem_shared>>)
        tpu.yield
      }) : () -> ()
    } else {
    }
    %mul3A = arith.constant 640 : i32
    %mul3A_9 = arith.muli %arg1, %mul3A : i32
    "tpu.region"() ({
      %run_scoped3A = tpu.sem_alloc : memref<!tpu.dma_semaphore, #tpu.memory_space<semaphore_mem>>
      %dma_start3A_122 = arith.constant 0 : i32
      %dma_start3A_123 = tpu.memref_slice %arg16[%mul3A_9, %dma_start3A_122] : memref<10240x32xf32, #tpu.memory_space<vmem_shared>> -> memref<640x32xf32, #tpu.memory_space<vmem_shared>>
      tpu.enqueue_dma source(%arg6 : memref<640x32xf32, #tpu.memory_space<hbm>>) target(%dma_start3A_123 : memref<640x32xf32, #tpu.memory_space<vmem_shared>>) target_semaphore(%run_scoped3A : memref<!tpu.dma_semaphore, #tpu.memory_space<semaphore_mem>>)
      %dma_wait3A_124 = arith.constant 0 : i32
      %dma_wait3A_125 = tpu.memref_slice %arg16[%mul3A_9, %dma_wait3A_124] : memref<10240x32xf32, #tpu.memory_space<vmem_shared>> -> memref<640x32xf32, #tpu.memory_space<vmem_shared>>
      tpu.wait_dma2 semaphore(%run_scoped3A : memref<!tpu.dma_semaphore, #tpu.memory_space<semaphore_mem>>) src(%arg6 : memref<640x32xf32, #tpu.memory_space<hbm>>) dst(%dma_wait3A_125 : memref<640x32xf32, #tpu.memory_space<vmem_shared>>)
      tpu.yield
    }) : () -> ()
    %mul3A_10 = arith.constant 640 : i32
    %mul3A_11 = arith.muli %arg1, %mul3A_10 : i32
    "tpu.region"() ({
      %run_scoped3A = tpu.sem_alloc : memref<!tpu.dma_semaphore, #tpu.memory_space<semaphore_mem>>
      %dma_start3A_122 = tpu.memref_slice %arg17[%mul3A_11] : memref<10240xf32, #tpu.memory_space<vmem_shared>> -> memref<640xf32, #tpu.memory_space<vmem_shared>>
      tpu.enqueue_dma source(%arg7 : memref<640xf32, #tpu.memory_space<hbm>>) target(%dma_start3A_122 : memref<640xf32, #tpu.memory_space<vmem_shared>>) target_semaphore(%run_scoped3A : memref<!tpu.dma_semaphore, #tpu.memory_space<semaphore_mem>>)
      %dma_wait3A_123 = tpu.memref_slice %arg17[%mul3A_11] : memref<10240xf32, #tpu.memory_space<vmem_shared>> -> memref<640xf32, #tpu.memory_space<vmem_shared>>
      tpu.wait_dma2 semaphore(%run_scoped3A : memref<!tpu.dma_semaphore, #tpu.memory_space<semaphore_mem>>) src(%arg7 : memref<640xf32, #tpu.memory_space<hbm>>) dst(%dma_wait3A_123 : memref<640xf32, #tpu.memory_space<vmem_shared>>)
      tpu.yield
    }) : () -> ()
    %barrier3A = arith.constant 0 : index
    tpu.barrier barrier_id(%barrier3A)
    %dma_start3A = arith.constant 0 : i32
    %dma_start3A_12 = arith.constant 0 : i32
    %dma_start3A_13 = arith.constant 0 : i32
    %dma_start3A_14 = arith.constant 0 : i32
    %dma_start3A_15 = tpu.memref_slice %arg13[%dma_start3A_12, %dma_start3A_13, %dma_start3A_14] : memref<4x128x32xf32, #tpu.memory_space<vmem>> -> memref<1x128x32xf32, #tpu.memory_space<vmem>>
    %dma_start3A_16 = tpu.memref_squeeze %dma_start3A_15 : memref<1x128x32xf32, #tpu.memory_space<vmem>> -> memref<128x32xf32, #tpu.memory_space<vmem>>
    %dma_start3A_17 = arith.constant 0 : i32
    %dma_start3A_18 = tpu.memref_slice %arg11[%dma_start3A, %dma_start3A_17] : memref<160x128xi32, #tpu.memory_space<vmem>> -> memref<1x128xi32, #tpu.memory_space<vmem>>
    %dma_start3A_19 = tpu.memref_squeeze %dma_start3A_18 : memref<1x128xi32, #tpu.memory_space<vmem>> -> memref<128xi32, #tpu.memory_space<vmem>>
    %dma_start3A_20 = arith.constant 0 : i32
    %dma_start3A_21 = arith.constant 0 : i32
    %dma_start3A_22 = tpu.memref_slice %arg15[%dma_start3A_20, %dma_start3A_21] : memref<10240x32xf32, #tpu.memory_space<vmem_shared>> -> memref<10240x32xf32, #tpu.memory_space<vmem_shared>>
    tpu.enqueue_indirect_dma source(%dma_start3A_22 : memref<10240x32xf32, #tpu.memory_space<vmem_shared>>) target(%dma_start3A_16 : memref<128x32xf32, #tpu.memory_space<vmem>>) offsets(%dma_start3A_19 : memref<128xi32, #tpu.memory_space<vmem>>) semaphore(%arg18 : memref<!tpu.dma_semaphore, #tpu.memory_space<semaphore_mem>>)
    %dma_start3A_23 = arith.constant 1 : i32
    %dma_start3A_24 = arith.constant 1 : i32
    %dma_start3A_25 = arith.constant 0 : i32
    %dma_start3A_26 = arith.constant 0 : i32
    %dma_start3A_27 = tpu.memref_slice %arg13[%dma_start3A_24, %dma_start3A_25, %dma_start3A_26] : memref<4x128x32xf32, #tpu.memory_space<vmem>> -> memref<1x128x32xf32, #tpu.memory_space<vmem>>
    %dma_start3A_28 = tpu.memref_squeeze %dma_start3A_27 : memref<1x128x32xf32, #tpu.memory_space<vmem>> -> memref<128x32xf32, #tpu.memory_space<vmem>>
    %dma_start3A_29 = arith.constant 0 : i32
    %dma_start3A_30 = tpu.memref_slice %arg11[%dma_start3A_23, %dma_start3A_29] : memref<160x128xi32, #tpu.memory_space<vmem>> -> memref<1x128xi32, #tpu.memory_space<vmem>>
    %dma_start3A_31 = tpu.memref_squeeze %dma_start3A_30 : memref<1x128xi32, #tpu.memory_space<vmem>> -> memref<128xi32, #tpu.memory_space<vmem>>
    %dma_start3A_32 = arith.constant 0 : i32
    %dma_start3A_33 = arith.constant 0 : i32
    %dma_start3A_34 = tpu.memref_slice %arg15[%dma_start3A_32, %dma_start3A_33] : memref<10240x32xf32, #tpu.memory_space<vmem_shared>> -> memref<10240x32xf32, #tpu.memory_space<vmem_shared>>
    tpu.enqueue_indirect_dma source(%dma_start3A_34 : memref<10240x32xf32, #tpu.memory_space<vmem_shared>>) target(%dma_start3A_28 : memref<128x32xf32, #tpu.memory_space<vmem>>) offsets(%dma_start3A_31 : memref<128xi32, #tpu.memory_space<vmem>>) semaphore(%arg18 : memref<!tpu.dma_semaphore, #tpu.memory_space<semaphore_mem>>)
    %dma_start3A_35 = arith.constant 2 : i32
    %dma_start3A_36 = arith.constant 2 : i32
    %dma_start3A_37 = arith.constant 0 : i32
    %dma_start3A_38 = arith.constant 0 : i32
    %dma_start3A_39 = tpu.memref_slice %arg13[%dma_start3A_36, %dma_start3A_37, %dma_start3A_38] : memref<4x128x32xf32, #tpu.memory_space<vmem>> -> memref<1x128x32xf32, #tpu.memory_space<vmem>>
    %dma_start3A_40 = tpu.memref_squeeze %dma_start3A_39 : memref<1x128x32xf32, #tpu.memory_space<vmem>> -> memref<128x32xf32, #tpu.memory_space<vmem>>
    %dma_start3A_41 = arith.constant 0 : i32
    %dma_start3A_42 = tpu.memref_slice %arg11[%dma_start3A_35, %dma_start3A_41] : memref<160x128xi32, #tpu.memory_space<vmem>> -> memref<1x128xi32, #tpu.memory_space<vmem>>
    %dma_start3A_43 = tpu.memref_squeeze %dma_start3A_42 : memref<1x128xi32, #tpu.memory_space<vmem>> -> memref<128xi32, #tpu.memory_space<vmem>>
    %dma_start3A_44 = arith.constant 0 : i32
    %dma_start3A_45 = arith.constant 0 : i32
    %dma_start3A_46 = tpu.memref_slice %arg15[%dma_start3A_44, %dma_start3A_45] : memref<10240x32xf32, #tpu.memory_space<vmem_shared>> -> memref<10240x32xf32, #tpu.memory_space<vmem_shared>>
    tpu.enqueue_indirect_dma source(%dma_start3A_46 : memref<10240x32xf32, #tpu.memory_space<vmem_shared>>) target(%dma_start3A_40 : memref<128x32xf32, #tpu.memory_space<vmem>>) offsets(%dma_start3A_43 : memref<128xi32, #tpu.memory_space<vmem>>) semaphore(%arg18 : memref<!tpu.dma_semaphore, #tpu.memory_space<semaphore_mem>>)
    %dma_start3A_47 = arith.constant 3 : i32
    %dma_start3A_48 = arith.constant 3 : i32
    %dma_start3A_49 = arith.constant 0 : i32
    %dma_start3A_50 = arith.constant 0 : i32
    %dma_start3A_51 = tpu.memref_slice %arg13[%dma_start3A_48, %dma_start3A_49, %dma_start3A_50] : memref<4x128x32xf32, #tpu.memory_space<vmem>> -> memref<1x128x32xf32, #tpu.memory_space<vmem>>
    %dma_start3A_52 = tpu.memref_squeeze %dma_start3A_51 : memref<1x128x32xf32, #tpu.memory_space<vmem>> -> memref<128x32xf32, #tpu.memory_space<vmem>>
    %dma_start3A_53 = arith.constant 0 : i32
    %dma_start3A_54 = tpu.memref_slice %arg11[%dma_start3A_47, %dma_start3A_53] : memref<160x128xi32, #tpu.memory_space<vmem>> -> memref<1x128xi32, #tpu.memory_space<vmem>>
    %dma_start3A_55 = tpu.memref_squeeze %dma_start3A_54 : memref<1x128xi32, #tpu.memory_space<vmem>> -> memref<128xi32, #tpu.memory_space<vmem>>
    %dma_start3A_56 = arith.constant 0 : i32
    %dma_start3A_57 = arith.constant 0 : i32
    %dma_start3A_58 = tpu.memref_slice %arg15[%dma_start3A_56, %dma_start3A_57] : memref<10240x32xf32, #tpu.memory_space<vmem_shared>> -> memref<10240x32xf32, #tpu.memory_space<vmem_shared>>
    tpu.enqueue_indirect_dma source(%dma_start3A_58 : memref<10240x32xf32, #tpu.memory_space<vmem_shared>>) target(%dma_start3A_52 : memref<128x32xf32, #tpu.memory_space<vmem>>) offsets(%dma_start3A_55 : memref<128xi32, #tpu.memory_space<vmem>>) semaphore(%arg18 : memref<!tpu.dma_semaphore, #tpu.memory_space<semaphore_mem>>)
    %scan3A = arith.constant 0 : i32
    %scan3A_59 = arith.constant 0 : i32
    %scan3A_60 = arith.constant 160 : i32
    %scan3A_61 = arith.addi %scan3A_59, %scan3A_60 : i32
    %scan3A_62 = arith.constant 1 : i32
    scf.for %scan3A_122 = %scan3A_59 to %scan3A_61 step %scan3A_62  : i32 {
      %rem3A = arith.constant 4 : i32
      %rem3A_123 = arith.remsi %scan3A_122, %rem3A : i32
      %dma_wait3A_124 = arith.constant 0 : i32
      %dma_wait3A_125 = arith.constant 0 : i32
      %dma_wait3A_126 = tpu.memref_slice %arg13[%rem3A_123, %dma_wait3A_124, %dma_wait3A_125] : memref<4x128x32xf32, #tpu.memory_space<vmem>> -> memref<1x128x32xf32, #tpu.memory_space<vmem>>
      %dma_wait3A_127 = tpu.memref_squeeze %dma_wait3A_126 : memref<1x128x32xf32, #tpu.memory_space<vmem>> -> memref<128x32xf32, #tpu.memory_space<vmem>>
      %dma_wait3A_128 = arith.constant 0 : i32
      %dma_wait3A_129 = tpu.memref_slice %arg11[%scan3A_122, %dma_wait3A_128] : memref<160x128xi32, #tpu.memory_space<vmem>> -> memref<1x128xi32, #tpu.memory_space<vmem>>
      %dma_wait3A_130 = tpu.memref_squeeze %dma_wait3A_129 : memref<1x128xi32, #tpu.memory_space<vmem>> -> memref<128xi32, #tpu.memory_space<vmem>>
      %dma_wait3A_131 = arith.constant 0 : i32
      %dma_wait3A_132 = arith.constant 0 : i32
      %dma_wait3A_133 = tpu.memref_slice %arg15[%dma_wait3A_131, %dma_wait3A_132] : memref<10240x32xf32, #tpu.memory_space<vmem_shared>> -> memref<10240x32xf32, #tpu.memory_space<vmem_shared>>
      tpu.wait_indirect_dma semaphore(%arg18 : memref<!tpu.dma_semaphore, #tpu.memory_space<semaphore_mem>>) src(%dma_wait3A_133 : memref<10240x32xf32, #tpu.memory_space<vmem_shared>>) dst(%dma_wait3A_127 : memref<128x32xf32, #tpu.memory_space<vmem>>)
      %dma_start3A_134 = arith.constant 0 : i32
      %dma_start3A_135 = arith.constant 0 : i32
      %dma_start3A_136 = tpu.memref_slice %arg13[%rem3A_123, %dma_start3A_134, %dma_start3A_135] : memref<4x128x32xf32, #tpu.memory_space<vmem>> -> memref<1x128x32xf32, #tpu.memory_space<vmem>>
      %dma_start3A_137 = tpu.memref_squeeze %dma_start3A_136 : memref<1x128x32xf32, #tpu.memory_space<vmem>> -> memref<128x32xf32, #tpu.memory_space<vmem>>
      %dma_start3A_138 = arith.constant 0 : i32
      %dma_start3A_139 = tpu.memref_slice %arg12[%scan3A_122, %dma_start3A_138] : memref<160x128xi32, #tpu.memory_space<vmem>> -> memref<1x128xi32, #tpu.memory_space<vmem>>
      %dma_start3A_140 = tpu.memref_squeeze %dma_start3A_139 : memref<1x128xi32, #tpu.memory_space<vmem>> -> memref<128xi32, #tpu.memory_space<vmem>>
      %dma_start3A_141 = arith.constant 0 : i32
      %dma_start3A_142 = arith.constant 0 : i32
      %dma_start3A_143 = tpu.memref_slice %arg16[%dma_start3A_141, %dma_start3A_142] : memref<10240x32xf32, #tpu.memory_space<vmem_shared>> -> memref<10240x32xf32, #tpu.memory_space<vmem_shared>>
      tpu.enqueue_indirect_dma source(%dma_start3A_137 : memref<128x32xf32, #tpu.memory_space<vmem>>) target(%dma_start3A_143 : memref<10240x32xf32, #tpu.memory_space<vmem_shared>>) offsets(%dma_start3A_140 : memref<128xi32, #tpu.memory_space<vmem>>) semaphore(%arg19 : memref<!tpu.dma_semaphore, #tpu.memory_space<semaphore_mem>>) {add = true}
      %convert_element_type3A_144 = arith.extui %eq3A_0 : i1 to i32
      %cond3A_145 = arith.constant 0 : i32
      %cond3A_146 = arith.cmpi ne, %convert_element_type3A_144, %cond3A_145 : i32
      scf.if %cond3A_146 {
        %dma_start3A_152 = arith.constant 0 : i32
        %dma_start3A_153 = tpu.memref_slice %arg12[%scan3A_122, %dma_start3A_152] : memref<160x128xi32, #tpu.memory_space<vmem>> -> memref<1x128xi32, #tpu.memory_space<vmem>>
        %dma_start3A_154 = tpu.memref_squeeze %dma_start3A_153 : memref<1x128xi32, #tpu.memory_space<vmem>> -> memref<128xi32, #tpu.memory_space<vmem>>
        %dma_start3A_155 = arith.constant 0 : i32
        %dma_start3A_156 = tpu.memref_slice %arg17[%dma_start3A_155] : memref<10240xf32, #tpu.memory_space<vmem_shared>> -> memref<10240xf32, #tpu.memory_space<vmem_shared>>
        tpu.enqueue_indirect_dma source(%arg14 : memref<128xf32, #tpu.memory_space<vmem>>) target(%dma_start3A_156 : memref<10240xf32, #tpu.memory_space<vmem_shared>>) offsets(%dma_start3A_154 : memref<128xi32, #tpu.memory_space<vmem>>) semaphore(%arg20 : memref<!tpu.dma_semaphore, #tpu.memory_space<semaphore_mem>>) {add = true}
      } else {
      }
      %add3A = arith.constant 4 : i32
      %add3A_147 = arith.addi %scan3A_122, %add3A : i32
      %lt3A = arith.constant 160 : i32
      %lt3A_148 = arith.cmpi slt, %add3A_147, %lt3A : i32
      %convert_element_type3A_149 = arith.extui %lt3A_148 : i1 to i32
      %cond3A_150 = arith.constant 0 : i32
      %cond3A_151 = arith.cmpi ne, %convert_element_type3A_149, %cond3A_150 : i32
      scf.if %cond3A_151 {
        %dma_wait3A_152 = arith.constant 0 : i32
        %dma_wait3A_153 = arith.constant 0 : i32
        %dma_wait3A_154 = tpu.memref_slice %arg13[%rem3A_123, %dma_wait3A_152, %dma_wait3A_153] : memref<4x128x32xf32, #tpu.memory_space<vmem>> -> memref<1x128x32xf32, #tpu.memory_space<vmem>>
        %dma_wait3A_155 = tpu.memref_squeeze %dma_wait3A_154 : memref<1x128x32xf32, #tpu.memory_space<vmem>> -> memref<128x32xf32, #tpu.memory_space<vmem>>
        %dma_wait3A_156 = arith.constant 0 : i32
        %dma_wait3A_157 = tpu.memref_slice %arg12[%scan3A_122, %dma_wait3A_156] : memref<160x128xi32, #tpu.memory_space<vmem>> -> memref<1x128xi32, #tpu.memory_space<vmem>>
        %dma_wait3A_158 = tpu.memref_squeeze %dma_wait3A_157 : memref<1x128xi32, #tpu.memory_space<vmem>> -> memref<128xi32, #tpu.memory_space<vmem>>
        %dma_wait3A_159 = arith.constant 0 : i32
        %dma_wait3A_160 = arith.constant 0 : i32
        %dma_wait3A_161 = tpu.memref_slice %arg16[%dma_wait3A_159, %dma_wait3A_160] : memref<10240x32xf32, #tpu.memory_space<vmem_shared>> -> memref<10240x32xf32, #tpu.memory_space<vmem_shared>>
        tpu.wait_indirect_dma semaphore(%arg19 : memref<!tpu.dma_semaphore, #tpu.memory_space<semaphore_mem>>) src(%dma_wait3A_155 : memref<128x32xf32, #tpu.memory_space<vmem>>) dst(%dma_wait3A_161 : memref<10240x32xf32, #tpu.memory_space<vmem_shared>>)
        %dma_start3A_162 = arith.constant 0 : i32
        %dma_start3A_163 = arith.constant 0 : i32
        %dma_start3A_164 = tpu.memref_slice %arg13[%rem3A_123, %dma_start3A_162, %dma_start3A_163] : memref<4x128x32xf32, #tpu.memory_space<vmem>> -> memref<1x128x32xf32, #tpu.memory_space<vmem>>
        %dma_start3A_165 = tpu.memref_squeeze %dma_start3A_164 : memref<1x128x32xf32, #tpu.memory_space<vmem>> -> memref<128x32xf32, #tpu.memory_space<vmem>>
        %dma_start3A_166 = arith.constant 0 : i32
        %dma_start3A_167 = tpu.memref_slice %arg11[%add3A_147, %dma_start3A_166] : memref<160x128xi32, #tpu.memory_space<vmem>> -> memref<1x128xi32, #tpu.memory_space<vmem>>
        %dma_start3A_168 = tpu.memref_squeeze %dma_start3A_167 : memref<1x128xi32, #tpu.memory_space<vmem>> -> memref<128xi32, #tpu.memory_space<vmem>>
        %dma_start3A_169 = arith.constant 0 : i32
        %dma_start3A_170 = arith.constant 0 : i32
        %dma_start3A_171 = tpu.memref_slice %arg15[%dma_start3A_169, %dma_start3A_170] : memref<10240x32xf32, #tpu.memory_space<vmem_shared>> -> memref<10240x32xf32, #tpu.memory_space<vmem_shared>>
        tpu.enqueue_indirect_dma source(%dma_start3A_171 : memref<10240x32xf32, #tpu.memory_space<vmem_shared>>) target(%dma_start3A_165 : memref<128x32xf32, #tpu.memory_space<vmem>>) offsets(%dma_start3A_168 : memref<128xi32, #tpu.memory_space<vmem>>) semaphore(%arg18 : memref<!tpu.dma_semaphore, #tpu.memory_space<semaphore_mem>>)
      } else {
      }
    }
    %scan3A_63 = arith.constant 160 : i32
    %dma_wait3A = arith.constant 0 : i32
    %dma_wait3A_64 = arith.constant 0 : i32
    %dma_wait3A_65 = arith.constant 0 : i32
    %dma_wait3A_66 = arith.constant 0 : i32
    %dma_wait3A_67 = tpu.memref_slice %arg13[%dma_wait3A, %dma_wait3A_65, %dma_wait3A_66] : memref<4x128x32xf32, #tpu.memory_space<vmem>> -> memref<1x128x32xf32, #tpu.memory_space<vmem>>
    %dma_wait3A_68 = tpu.memref_squeeze %dma_wait3A_67 : memref<1x128x32xf32, #tpu.memory_space<vmem>> -> memref<128x32xf32, #tpu.memory_space<vmem>>
    %dma_wait3A_69 = arith.constant 0 : i32
    %dma_wait3A_70 = tpu.memref_slice %arg12[%dma_wait3A_64, %dma_wait3A_69] : memref<160x128xi32, #tpu.memory_space<vmem>> -> memref<1x128xi32, #tpu.memory_space<vmem>>
    %dma_wait3A_71 = tpu.memref_squeeze %dma_wait3A_70 : memref<1x128xi32, #tpu.memory_space<vmem>> -> memref<128xi32, #tpu.memory_space<vmem>>
    %dma_wait3A_72 = arith.constant 0 : i32
    %dma_wait3A_73 = arith.constant 0 : i32
    %dma_wait3A_74 = tpu.memref_slice %arg16[%dma_wait3A_72, %dma_wait3A_73] : memref<10240x32xf32, #tpu.memory_space<vmem_shared>> -> memref<10240x32xf32, #tpu.memory_space<vmem_shared>>
    tpu.wait_indirect_dma semaphore(%arg19 : memref<!tpu.dma_semaphore, #tpu.memory_space<semaphore_mem>>) src(%dma_wait3A_68 : memref<128x32xf32, #tpu.memory_space<vmem>>) dst(%dma_wait3A_74 : memref<10240x32xf32, #tpu.memory_space<vmem_shared>>)
    %dma_wait3A_75 = arith.constant 1 : i32
    %dma_wait3A_76 = arith.constant 0 : i32
    %dma_wait3A_77 = arith.constant 0 : i32
    %dma_wait3A_78 = arith.constant 0 : i32
    %dma_wait3A_79 = tpu.memref_slice %arg13[%dma_wait3A_75, %dma_wait3A_77, %dma_wait3A_78] : memref<4x128x32xf32, #tpu.memory_space<vmem>> -> memref<1x128x32xf32, #tpu.memory_space<vmem>>
    %dma_wait3A_80 = tpu.memref_squeeze %dma_wait3A_79 : memref<1x128x32xf32, #tpu.memory_space<vmem>> -> memref<128x32xf32, #tpu.memory_space<vmem>>
    %dma_wait3A_81 = arith.constant 0 : i32
    %dma_wait3A_82 = tpu.memref_slice %arg12[%dma_wait3A_76, %dma_wait3A_81] : memref<160x128xi32, #tpu.memory_space<vmem>> -> memref<1x128xi32, #tpu.memory_space<vmem>>
    %dma_wait3A_83 = tpu.memref_squeeze %dma_wait3A_82 : memref<1x128xi32, #tpu.memory_space<vmem>> -> memref<128xi32, #tpu.memory_space<vmem>>
    %dma_wait3A_84 = arith.constant 0 : i32
    %dma_wait3A_85 = arith.constant 0 : i32
    %dma_wait3A_86 = tpu.memref_slice %arg16[%dma_wait3A_84, %dma_wait3A_85] : memref<10240x32xf32, #tpu.memory_space<vmem_shared>> -> memref<10240x32xf32, #tpu.memory_space<vmem_shared>>
    tpu.wait_indirect_dma semaphore(%arg19 : memref<!tpu.dma_semaphore, #tpu.memory_space<semaphore_mem>>) src(%dma_wait3A_80 : memref<128x32xf32, #tpu.memory_space<vmem>>) dst(%dma_wait3A_86 : memref<10240x32xf32, #tpu.memory_space<vmem_shared>>)
    %dma_wait3A_87 = arith.constant 2 : i32
    %dma_wait3A_88 = arith.constant 0 : i32
    %dma_wait3A_89 = arith.constant 0 : i32
    %dma_wait3A_90 = arith.constant 0 : i32
    %dma_wait3A_91 = tpu.memref_slice %arg13[%dma_wait3A_87, %dma_wait3A_89, %dma_wait3A_90] : memref<4x128x32xf32, #tpu.memory_space<vmem>> -> memref<1x128x32xf32, #tpu.memory_space<vmem>>
    %dma_wait3A_92 = tpu.memref_squeeze %dma_wait3A_91 : memref<1x128x32xf32, #tpu.memory_space<vmem>> -> memref<128x32xf32, #tpu.memory_space<vmem>>
    %dma_wait3A_93 = arith.constant 0 : i32
    %dma_wait3A_94 = tpu.memref_slice %arg12[%dma_wait3A_88, %dma_wait3A_93] : memref<160x128xi32, #tpu.memory_space<vmem>> -> memref<1x128xi32, #tpu.memory_space<vmem>>
    %dma_wait3A_95 = tpu.memref_squeeze %dma_wait3A_94 : memref<1x128xi32, #tpu.memory_space<vmem>> -> memref<128xi32, #tpu.memory_space<vmem>>
    %dma_wait3A_96 = arith.constant 0 : i32
    %dma_wait3A_97 = arith.constant 0 : i32
    %dma_wait3A_98 = tpu.memref_slice %arg16[%dma_wait3A_96, %dma_wait3A_97] : memref<10240x32xf32, #tpu.memory_space<vmem_shared>> -> memref<10240x32xf32, #tpu.memory_space<vmem_shared>>
    tpu.wait_indirect_dma semaphore(%arg19 : memref<!tpu.dma_semaphore, #tpu.memory_space<semaphore_mem>>) src(%dma_wait3A_92 : memref<128x32xf32, #tpu.memory_space<vmem>>) dst(%dma_wait3A_98 : memref<10240x32xf32, #tpu.memory_space<vmem_shared>>)
    %dma_wait3A_99 = arith.constant 3 : i32
    %dma_wait3A_100 = arith.constant 0 : i32
    %dma_wait3A_101 = arith.constant 0 : i32
    %dma_wait3A_102 = arith.constant 0 : i32
    %dma_wait3A_103 = tpu.memref_slice %arg13[%dma_wait3A_99, %dma_wait3A_101, %dma_wait3A_102] : memref<4x128x32xf32, #tpu.memory_space<vmem>> -> memref<1x128x32xf32, #tpu.memory_space<vmem>>
    %dma_wait3A_104 = tpu.memref_squeeze %dma_wait3A_103 : memref<1x128x32xf32, #tpu.memory_space<vmem>> -> memref<128x32xf32, #tpu.memory_space<vmem>>
    %dma_wait3A_105 = arith.constant 0 : i32
    %dma_wait3A_106 = tpu.memref_slice %arg12[%dma_wait3A_100, %dma_wait3A_105] : memref<160x128xi32, #tpu.memory_space<vmem>> -> memref<1x128xi32, #tpu.memory_space<vmem>>
    %dma_wait3A_107 = tpu.memref_squeeze %dma_wait3A_106 : memref<1x128xi32, #tpu.memory_space<vmem>> -> memref<128xi32, #tpu.memory_space<vmem>>
    %dma_wait3A_108 = arith.constant 0 : i32
    %dma_wait3A_109 = arith.constant 0 : i32
    %dma_wait3A_110 = tpu.memref_slice %arg16[%dma_wait3A_108, %dma_wait3A_109] : memref<10240x32xf32, #tpu.memory_space<vmem_shared>> -> memref<10240x32xf32, #tpu.memory_space<vmem_shared>>
    tpu.wait_indirect_dma semaphore(%arg19 : memref<!tpu.dma_semaphore, #tpu.memory_space<semaphore_mem>>) src(%dma_wait3A_104 : memref<128x32xf32, #tpu.memory_space<vmem>>) dst(%dma_wait3A_110 : memref<10240x32xf32, #tpu.memory_space<vmem_shared>>)
    %convert_element_type3A_111 = arith.extui %eq3A_0 : i1 to i32
    %cond3A_112 = arith.constant 0 : i32
    %cond3A_113 = arith.cmpi ne, %convert_element_type3A_111, %cond3A_112 : i32
    scf.if %cond3A_113 {
      %scan3A_122 = arith.constant 0 : i32
      %scan3A_123 = arith.constant 0 : i32
      %scan3A_124 = arith.constant 160 : i32
      %scan3A_125 = arith.addi %scan3A_123, %scan3A_124 : i32
      %scan3A_126 = arith.constant 1 : i32
      scf.for %scan3A_128 = %scan3A_123 to %scan3A_125 step %scan3A_126  : i32 {
        %dma_wait3A_129 = arith.constant 0 : i32
        %dma_wait3A_130 = arith.constant 0 : i32
        %dma_wait3A_131 = tpu.memref_slice %arg12[%dma_wait3A_129, %dma_wait3A_130] : memref<160x128xi32, #tpu.memory_space<vmem>> -> memref<1x128xi32, #tpu.memory_space<vmem>>
        %dma_wait3A_132 = tpu.memref_squeeze %dma_wait3A_131 : memref<1x128xi32, #tpu.memory_space<vmem>> -> memref<128xi32, #tpu.memory_space<vmem>>
        %dma_wait3A_133 = arith.constant 0 : i32
        %dma_wait3A_134 = tpu.memref_slice %arg17[%dma_wait3A_133] : memref<10240xf32, #tpu.memory_space<vmem_shared>> -> memref<10240xf32, #tpu.memory_space<vmem_shared>>
        tpu.wait_indirect_dma semaphore(%arg20 : memref<!tpu.dma_semaphore, #tpu.memory_space<semaphore_mem>>) src(%arg14 : memref<128xf32, #tpu.memory_space<vmem>>) dst(%dma_wait3A_134 : memref<10240xf32, #tpu.memory_space<vmem_shared>>)
      }
      %scan3A_127 = arith.constant 160 : i32
    } else {
    }
    %barrier3A_114 = arith.constant 0 : index
    tpu.barrier barrier_id(%barrier3A_114)
    %mul3A_115 = arith.constant 640 : i32
    %mul3A_116 = arith.muli %arg1, %mul3A_115 : i32
    %mul3A_117 = arith.constant 640 : i32
    %mul3A_118 = arith.muli %arg1, %mul3A_117 : i32
    "tpu.region"() ({
      %run_scoped3A = tpu.sem_alloc : memref<!tpu.dma_semaphore, #tpu.memory_space<semaphore_mem>>
      %dma_start3A_122 = arith.constant 0 : i32
      %dma_start3A_123 = tpu.memref_slice %arg9[%arg0, %mul3A_118, %dma_start3A_122] : memref<2x10240x32xf32, #tpu.memory_space<hbm>> -> memref<1x640x32xf32, #tpu.memory_space<hbm>>
      %dma_start3A_124 = tpu.memref_squeeze %dma_start3A_123 : memref<1x640x32xf32, #tpu.memory_space<hbm>> -> memref<640x32xf32, #tpu.memory_space<hbm>>
      %dma_start3A_125 = arith.constant 0 : i32
      %dma_start3A_126 = tpu.memref_slice %arg16[%mul3A_116, %dma_start3A_125] : memref<10240x32xf32, #tpu.memory_space<vmem_shared>> -> memref<640x32xf32, #tpu.memory_space<vmem_shared>>
      tpu.enqueue_dma source(%dma_start3A_126 : memref<640x32xf32, #tpu.memory_space<vmem_shared>>) target(%dma_start3A_124 : memref<640x32xf32, #tpu.memory_space<hbm>>) target_semaphore(%run_scoped3A : memref<!tpu.dma_semaphore, #tpu.memory_space<semaphore_mem>>)
      %dma_wait3A_127 = arith.constant 0 : i32
      %dma_wait3A_128 = tpu.memref_slice %arg9[%arg0, %mul3A_118, %dma_wait3A_127] : memref<2x10240x32xf32, #tpu.memory_space<hbm>> -> memref<1x640x32xf32, #tpu.memory_space<hbm>>
      %dma_wait3A_129 = tpu.memref_squeeze %dma_wait3A_128 : memref<1x640x32xf32, #tpu.memory_space<hbm>> -> memref<640x32xf32, #tpu.memory_space<hbm>>
      %dma_wait3A_130 = arith.constant 0 : i32
      %dma_wait3A_131 = tpu.memref_slice %arg16[%mul3A_116, %dma_wait3A_130] : memref<10240x32xf32, #tpu.memory_space<vmem_shared>> -> memref<640x32xf32, #tpu.memory_space<vmem_shared>>
      tpu.wait_dma2 semaphore(%run_scoped3A : memref<!tpu.dma_semaphore, #tpu.memory_space<semaphore_mem>>) src(%dma_wait3A_131 : memref<640x32xf32, #tpu.memory_space<vmem_shared>>) dst(%dma_wait3A_129 : memref<640x32xf32, #tpu.memory_space<hbm>>)
      tpu.yield
    }) : () -> ()
    %convert_element_type3A_119 = arith.extui %eq3A_0 : i1 to i32
    %cond3A_120 = arith.constant 0 : i32
    %cond3A_121 = arith.cmpi ne, %convert_element_type3A_119, %cond3A_120 : i32
    scf.if %cond3A_121 {
      %mul3A_122 = arith.constant 640 : i32
      %mul3A_123 = arith.muli %arg1, %mul3A_122 : i32
      %mul3A_124 = arith.constant 640 : i32
      %mul3A_125 = arith.muli %arg1, %mul3A_124 : i32
      "tpu.region"() ({
        %run_scoped3A = tpu.sem_alloc : memref<!tpu.dma_semaphore, #tpu.memory_space<semaphore_mem>>
        %dma_start3A_126 = tpu.memref_slice %arg10[%mul3A_125] : memref<10240xf32, #tpu.memory_space<hbm>> -> memref<640xf32, #tpu.memory_space<hbm>>
        %dma_start3A_127 = tpu.memref_slice %arg17[%mul3A_123] : memref<10240xf32, #tpu.memory_space<vmem_shared>> -> memref<640xf32, #tpu.memory_space<vmem_shared>>
        tpu.enqueue_dma source(%dma_start3A_127 : memref<640xf32, #tpu.memory_space<vmem_shared>>) target(%dma_start3A_126 : memref<640xf32, #tpu.memory_space<hbm>>) target_semaphore(%run_scoped3A : memref<!tpu.dma_semaphore, #tpu.memory_space<semaphore_mem>>)
        %dma_wait3A_128 = tpu.memref_slice %arg10[%mul3A_125] : memref<10240xf32, #tpu.memory_space<hbm>> -> memref<640xf32, #tpu.memory_space<hbm>>
        %dma_wait3A_129 = tpu.memref_slice %arg17[%mul3A_123] : memref<10240xf32, #tpu.memory_space<vmem_shared>> -> memref<640xf32, #tpu.memory_space<vmem_shared>>
        tpu.wait_dma2 semaphore(%run_scoped3A : memref<!tpu.dma_semaphore, #tpu.memory_space<semaphore_mem>>) src(%dma_wait3A_129 : memref<640xf32, #tpu.memory_space<vmem_shared>>) dst(%dma_wait3A_128 : memref<640xf32, #tpu.memory_space<hbm>>)
        tpu.yield
      }) : () -> ()
    } else {
    }
    return
  }
}

module attributes {stable_mosaic.version = 14 : i64} {
  func.func @_mm1_body(%arg0: i32, %arg1: memref<1280x128xf32, #tpu.memory_space<vmem>>, %arg2: memref<128x64xf32, #tpu.memory_space<vmem>>, %arg3: memref<128x64xf32, #tpu.memory_space<vmem>>, %arg4: memref<1x64xf32, #tpu.memory_space<vmem>>, %arg5: memref<1280x32xf32, #tpu.memory_space<vmem>>, %arg6: memref<1280x32xf32, #tpu.memory_space<vmem>>, %arg7: memref<1280x64xf32, #tpu.memory_space<vmem>>) attributes {dimension_semantics = [#tpu.dimension_semantics<arbitrary>], iteration_bounds = array<i64: 8>, scalar_prefetch = 0 : i64, scratch_operands = 0 : i64, tpu.core_type = #tpu.core_type<tc>, window_params = [{transform_indices = @transform_0, window_bounds = array<i64: 1280, 128>}, {pipeline_mode = #tpu.pipeline_mode<synchronous>, transform_indices = @transform_1, window_bounds = array<i64: 128, 64>}, {pipeline_mode = #tpu.pipeline_mode<synchronous>, transform_indices = @transform_2, window_bounds = array<i64: 128, 64>}, {pipeline_mode = #tpu.pipeline_mode<synchronous>, transform_indices = @transform_3, window_bounds = array<i64: 1, 64>}, {transform_indices = @transform_4, window_bounds = array<i64: 1280, 32>}, {transform_indices = @transform_5, window_bounds = array<i64: 1280, 32>}, {transform_indices = @transform_6, window_bounds = array<i64: 1280, 64>}]} {
    %get3A = arith.constant 0 : index
    %get3A_0 = arith.constant 0 : index
    %get3A_1 = vector.load %arg1[%get3A, %get3A_0] : memref<1280x128xf32, #tpu.memory_space<vmem>>, vector<1280x128xf32>
    %get3A_2 = arith.constant 0 : index
    %get3A_3 = arith.constant 0 : index
    %get3A_4 = vector.load %arg2[%get3A_2, %get3A_3] : memref<128x64xf32, #tpu.memory_space<vmem>>, vector<128x64xf32>
    %dot_general3A = arith.constant dense<0.000000e+00> : vector<1280x64xf32>
    %dot_general3A_5 = tpu.matmul %get3A_1, %get3A_4, %dot_general3A {dimension_numbers = #tpu.dot_dimension_numbers<[1], [0], [0], [1], [0, 0, 1, 1], [], []>, transpose_lhs_hint = false} : vector<1280x128xf32>, vector<128x64xf32>, vector<1280x64xf32> -> vector<1280x64xf32>
    %slice3A = vector.extract_strided_slice %dot_general3A_5 {offsets = [0, 0], sizes = [1280, 32], strides = [1, 1]} : vector<1280x64xf32> to vector<1280x32xf32>
    %swap3A = arith.constant 0 : index
    %swap3A_6 = arith.constant 0 : index
    %swap3A_7 = vector.load %arg5[%swap3A, %swap3A_6] : memref<1280x32xf32, #tpu.memory_space<vmem>>, vector<1280x32xf32>
    tpu.vector_store %arg5[%swap3A, %swap3A_6], %slice3A {strides = array<i32>} : memref<1280x32xf32, #tpu.memory_space<vmem>>, vector<1280x32xf32>,
    %slice3A_8 = vector.extract_strided_slice %dot_general3A_5 {offsets = [0, 32], sizes = [1280, 32], strides = [1, 1]} : vector<1280x64xf32> to vector<1280x32xf32>
    %swap3A_9 = arith.constant 0 : index
    %swap3A_10 = arith.constant 0 : index
    %swap3A_11 = vector.load %arg6[%swap3A_9, %swap3A_10] : memref<1280x32xf32, #tpu.memory_space<vmem>>, vector<1280x32xf32>
    tpu.vector_store %arg6[%swap3A_9, %swap3A_10], %slice3A_8 {strides = array<i32>} : memref<1280x32xf32, #tpu.memory_space<vmem>>, vector<1280x32xf32>,
    %get3A_12 = arith.constant 0 : index
    %get3A_13 = arith.constant 0 : index
    %get3A_14 = vector.load %arg3[%get3A_12, %get3A_13] : memref<128x64xf32, #tpu.memory_space<vmem>>, vector<128x64xf32>
    %dot_general3A_15 = arith.constant dense<0.000000e+00> : vector<1280x64xf32>
    %dot_general3A_16 = tpu.matmul %get3A_1, %get3A_14, %dot_general3A_15 {dimension_numbers = #tpu.dot_dimension_numbers<[1], [0], [0], [1], [0, 0, 1, 1], [], []>, transpose_lhs_hint = false} : vector<1280x128xf32>, vector<128x64xf32>, vector<1280x64xf32> -> vector<1280x64xf32>
    %get3A_17 = arith.constant 0 : index
    %get3A_18 = arith.constant 0 : index
    %get3A_19 = vector.load %arg4[%get3A_17, %get3A_18] : memref<1x64xf32, #tpu.memory_space<vmem>>, vector<1x64xf32>
    %add3A = vector.broadcast %get3A_19 : vector<1x64xf32> to vector<1280x64xf32>
    %add3A_20 = arith.addf %dot_general3A_16, %add3A : vector<1280x64xf32>
    %swap3A_21 = arith.constant 0 : index
    %swap3A_22 = arith.constant 0 : index
    %swap3A_23 = vector.load %arg7[%swap3A_21, %swap3A_22] : memref<1280x64xf32, #tpu.memory_space<vmem>>, vector<1280x64xf32>
    tpu.vector_store %arg7[%swap3A_21, %swap3A_22], %add3A_20 {strides = array<i32>} : memref<1280x64xf32, #tpu.memory_space<vmem>>, vector<1280x64xf32>,
    return
  }
  func.func @transform_0(%arg0: i32) -> (i32, i32) {
    %c0_i32 = arith.constant 0 : i32
    %c0_i32_0 = arith.constant 0 : i32
    return %arg0, %c0_i32 : i32, i32
  }
  func.func @transform_1(%arg0: i32) -> (i32, i32) {
    %c0_i32 = arith.constant 0 : i32
    %c0_i32_0 = arith.constant 0 : i32
    %c0_i32_1 = arith.constant 0 : i32
    return %c0_i32, %c0_i32_0 : i32, i32
  }
  func.func @transform_2(%arg0: i32) -> (i32, i32) {
    %c0_i32 = arith.constant 0 : i32
    %c0_i32_0 = arith.constant 0 : i32
    %c0_i32_1 = arith.constant 0 : i32
    return %c0_i32, %c0_i32_0 : i32, i32
  }
  func.func @transform_3(%arg0: i32) -> (i32, i32) {
    %c0_i32 = arith.constant 0 : i32
    %c0_i32_0 = arith.constant 0 : i32
    %c0_i32_1 = arith.constant 0 : i32
    return %c0_i32, %c0_i32_0 : i32, i32
  }
  func.func @transform_4(%arg0: i32) -> (i32, i32) {
    %c0_i32 = arith.constant 0 : i32
    %c0_i32_0 = arith.constant 0 : i32
    return %arg0, %c0_i32 : i32, i32
  }
  func.func @transform_5(%arg0: i32) -> (i32, i32) {
    %c0_i32 = arith.constant 0 : i32
    %c0_i32_0 = arith.constant 0 : i32
    return %arg0, %c0_i32 : i32, i32
  }
  func.func @transform_6(%arg0: i32) -> (i32, i32) {
    %c0_i32 = arith.constant 0 : i32
    %c0_i32_0 = arith.constant 0 : i32
    return %arg0, %c0_i32 : i32, i32
  }
}

module attributes {stable_mosaic.version = 14 : i64} {
  func.func @_k2_body(%arg0: i32, %arg1: memref<2x1280x32xf32, #tpu.memory_space<vmem>>, %arg2: memref<1280x1xf32, #tpu.memory_space<vmem>>, %arg3: memref<1280x64xf32, #tpu.memory_space<vmem>>, %arg4: memref<64x128xf32, #tpu.memory_space<vmem>>, %arg5: memref<1x128xf32, #tpu.memory_space<vmem>>, %arg6: memref<1280x128xf32, #tpu.memory_space<vmem>>) attributes {dimension_semantics = [#tpu.dimension_semantics<arbitrary>], iteration_bounds = array<i64: 8>, scalar_prefetch = 0 : i64, scratch_operands = 0 : i64, tpu.core_type = #tpu.core_type<tc>, window_params = [{transform_indices = @transform_0, window_bounds = array<i64: 2, 1280, 32>}, {transform_indices = @transform_1, window_bounds = array<i64: 1280, 1>}, {transform_indices = @transform_2, window_bounds = array<i64: 1280, 64>}, {pipeline_mode = #tpu.pipeline_mode<synchronous>, transform_indices = @transform_3, window_bounds = array<i64: 64, 128>}, {pipeline_mode = #tpu.pipeline_mode<synchronous>, transform_indices = @transform_4, window_bounds = array<i64: 1, 128>}, {transform_indices = @transform_5, window_bounds = array<i64: 1280, 128>}]} {
    %get3A = arith.constant 0 : index
    %get3A_0 = arith.constant 0 : index
    %get3A_1 = arith.constant 0 : index
    %get3A_2 = vector.load %arg1[%get3A, %get3A_0, %get3A_1] : memref<2x1280x32xf32, #tpu.memory_space<vmem>>, vector<1x1280x32xf32>
    %get3A_3 = vector.shape_cast %get3A_2 : vector<1x1280x32xf32> to vector<1280x32xf32>
    %get3A_4 = arith.constant 1 : index
    %get3A_5 = arith.constant 0 : index
    %get3A_6 = arith.constant 0 : index
    %get3A_7 = vector.load %arg1[%get3A_4, %get3A_5, %get3A_6] : memref<2x1280x32xf32, #tpu.memory_space<vmem>>, vector<1x1280x32xf32>
    %get3A_8 = vector.shape_cast %get3A_7 : vector<1x1280x32xf32> to vector<1280x32xf32>
    %concatenate3A = tpu.concatenate %get3A_3, %get3A_8 in 1 : vector<1280x32xf32>, vector<1280x32xf32> -> vector<1280x64xf32>
    %get3A_9 = arith.constant 0 : index
    %get3A_10 = arith.constant 0 : index
    %get3A_11 = vector.load %arg2[%get3A_9, %get3A_10] : memref<1280x1xf32, #tpu.memory_space<vmem>>, vector<1280x1xf32>
    %max3A = arith.constant 1.000000e+00 : f32
    %max3A_12 = vector.broadcast %max3A : f32 to vector<1280x1xf32>
    %max3A_13 = arith.maximumf %get3A_11, %max3A_12 : vector<1280x1xf32>
    %div3A = vector.broadcast %max3A_13 : vector<1280x1xf32> to vector<1280x64xf32>
    %div3A_14 = arith.divf %concatenate3A, %div3A : vector<1280x64xf32>
    %get3A_15 = arith.constant 0 : index
    %get3A_16 = arith.constant 0 : index
    %get3A_17 = vector.load %arg3[%get3A_15, %get3A_16] : memref<1280x64xf32, #tpu.memory_space<vmem>>, vector<1280x64xf32>
    %add3A = arith.addf %div3A_14, %get3A_17 : vector<1280x64xf32>
    %max3A_18 = arith.constant 0.000000e+00 : f32
    %max3A_19 = vector.broadcast %max3A_18 : f32 to vector<1280x64xf32>
    %max3A_20 = arith.maximumf %add3A, %max3A_19 : vector<1280x64xf32>
    %get3A_21 = arith.constant 0 : index
    %get3A_22 = arith.constant 0 : index
    %get3A_23 = vector.load %arg4[%get3A_21, %get3A_22] : memref<64x128xf32, #tpu.memory_space<vmem>>, vector<64x128xf32>
    %dot_general3A = arith.constant dense<0.000000e+00> : vector<1280x128xf32>
    %dot_general3A_24 = tpu.matmul %max3A_20, %get3A_23, %dot_general3A {dimension_numbers = #tpu.dot_dimension_numbers<[1], [0], [0], [1], [0, 0, 1, 1], [], []>, transpose_lhs_hint = false} : vector<1280x64xf32>, vector<64x128xf32>, vector<1280x128xf32> -> vector<1280x128xf32>
    %get3A_25 = arith.constant 0 : index
    %get3A_26 = arith.constant 0 : index
    %get3A_27 = vector.load %arg5[%get3A_25, %get3A_26] : memref<1x128xf32, #tpu.memory_space<vmem>>, vector<1x128xf32>
    %add3A_28 = vector.broadcast %get3A_27 : vector<1x128xf32> to vector<1280x128xf32>
    %add3A_29 = arith.addf %dot_general3A_24, %add3A_28 : vector<1280x128xf32>
    %swap3A = arith.constant 0 : index
    %swap3A_30 = arith.constant 0 : index
    %swap3A_31 = vector.load %arg6[%swap3A, %swap3A_30] : memref<1280x128xf32, #tpu.memory_space<vmem>>, vector<1280x128xf32>
    tpu.vector_store %arg6[%swap3A, %swap3A_30], %add3A_29 {strides = array<i32>} : memref<1280x128xf32, #tpu.memory_space<vmem>>, vector<1280x128xf32>,
    return
  }
  func.func @transform_0(%arg0: i32) -> (i32, i32, i32) {
    %c0_i32 = arith.constant 0 : i32
    %c0_i32_0 = arith.constant 0 : i32
    %c0_i32_1 = arith.constant 0 : i32
    return %c0_i32, %arg0, %c0_i32_0 : i32, i32, i32
  }
  func.func @transform_1(%arg0: i32) -> (i32, i32) {
    %c0_i32 = arith.constant 0 : i32
    %c0_i32_0 = arith.constant 0 : i32
    return %arg0, %c0_i32 : i32, i32
  }
  func.func @transform_2(%arg0: i32) -> (i32, i32) {
    %c0_i32 = arith.constant 0 : i32
    %c0_i32_0 = arith.constant 0 : i32
    return %arg0, %c0_i32 : i32, i32
  }
  func.func @transform_3(%arg0: i32) -> (i32, i32) {
    %c0_i32 = arith.constant 0 : i32
    %c0_i32_0 = arith.constant 0 : i32
    %c0_i32_1 = arith.constant 0 : i32
    return %c0_i32, %c0_i32_0 : i32, i32
  }
  func.func @transform_4(%arg0: i32) -> (i32, i32) {
    %c0_i32 = arith.constant 0 : i32
    %c0_i32_0 = arith.constant 0 : i32
    %c0_i32_1 = arith.constant 0 : i32
    return %c0_i32, %c0_i32_0 : i32, i32
  }
  func.func @transform_5(%arg0: i32) -> (i32, i32) {
    %c0_i32 = arith.constant 0 : i32
    %c0_i32_0 = arith.constant 0 : i32
    return %arg0, %c0_i32 : i32, i32
  }
}

module attributes {stable_mosaic.version = 14 : i64} {
  func.func @_k3_body(%arg0: memref<2x80x128xf32, #tpu.memory_space<vmem>>, %arg1: memref<80x128xf32, #tpu.memory_space<vmem>>, %arg2: memref<80x128xf32, #tpu.memory_space<vmem>>, %arg3: memref<80x128xf32, #tpu.memory_space<vmem>>) attributes {dimension_semantics = [], scalar_prefetch = 0 : i64, scratch_operands = 0 : i64, tpu.core_type = #tpu.core_type<tc>} {
    %get3A = arith.constant 0 : index
    %get3A_0 = arith.constant 0 : index
    %get3A_1 = arith.constant 0 : index
    %get3A_2 = vector.load %arg0[%get3A, %get3A_0, %get3A_1] : memref<2x80x128xf32, #tpu.memory_space<vmem>>, vector<1x80x128xf32>
    %get3A_3 = vector.shape_cast %get3A_2 : vector<1x80x128xf32> to vector<80x128xf32>
    %get3A_4 = arith.constant 1 : index
    %get3A_5 = arith.constant 0 : index
    %get3A_6 = arith.constant 0 : index
    %get3A_7 = vector.load %arg0[%get3A_4, %get3A_5, %get3A_6] : memref<2x80x128xf32, #tpu.memory_space<vmem>>, vector<1x80x128xf32>
    %get3A_8 = vector.shape_cast %get3A_7 : vector<1x80x128xf32> to vector<80x128xf32>
    %add3A = arith.addf %get3A_3, %get3A_8 : vector<80x128xf32>
    %get3A_9 = arith.constant 0 : index
    %get3A_10 = arith.constant 0 : index
    %get3A_11 = vector.load %arg1[%get3A_9, %get3A_10] : memref<80x128xf32, #tpu.memory_space<vmem>>, vector<80x128xf32>
    %max3A = arith.constant 1.000000e+00 : f32
    %max3A_12 = vector.broadcast %max3A : f32 to vector<80x128xf32>
    %max3A_13 = arith.maximumf %get3A_11, %max3A_12 : vector<80x128xf32>
    %div3A = arith.divf %add3A, %max3A_13 : vector<80x128xf32>
    %get3A_14 = arith.constant 0 : index
    %get3A_15 = arith.constant 0 : index
    %get3A_16 = vector.load %arg2[%get3A_14, %get3A_15] : memref<80x128xf32, #tpu.memory_space<vmem>>, vector<80x128xf32>
    %add3A_17 = arith.addf %div3A, %get3A_16 : vector<80x128xf32>
    %swap3A = arith.constant 0 : index
    %swap3A_18 = arith.constant 0 : index
    %swap3A_19 = vector.load %arg3[%swap3A, %swap3A_18] : memref<80x128xf32, #tpu.memory_space<vmem>>, vector<80x128xf32>
    tpu.vector_store %arg3[%swap3A, %swap3A_18], %add3A_17 {strides = array<i32>} : memref<80x128xf32, #tpu.memory_space<vmem>>, vector<80x128xf32>,
    return
  }
}

</mosaic_0001>

<sc_bundles>
// kernel: kernel.10.cloned.1.call-start
scs
__scs_entry_jumppad:
0x0: {  	(pc) =	sbr.rel $0x88, $3  }
0x1: {  	(tag) =	ssettag $0x0;
	lr =	simm.s32 $0x1  }
0x2: {  	[smem:$0x3F99] =	sst lr;
	_ =	strace $0xD0000000  }
0x3: {  	_ = 	snop  }
0x4: {  	_ = 	snop  }
0x5: {  	_ = 	snop  }
0x6: {  	_ = 	snop  }
0x7: {  	_ = 	snop  }
__scs_overlays_trampoline_lowered:
0x8: {  	[smem:$0x3FA8] =	sst s0  }
0x9: {  	[smem:$0x3FA9] =	sst s1  }
0xa: {  	[smem:$0x3FAA] =	sst s2  }
0xb: {  	[smem:$0x3FAB] =	sst s3  }
0xc: {  	[smem:$0x3FAC] =	sst s4  }
0xd: {  	[smem:$0x3FAD] =	sst s5  }
0xe: {  	[smem:$0x3FAE] =	sst s6  }
0xf: {  	[smem:$0x3FAF] =	sst s7  }
0x10: {  	[smem:$0x3FB0] =	sst s8  }
0x11: {  	[smem:$0x3FB1] =	sst s9;
	s0 =	simm.s32 @!p0 $0x0  }
0x12: {  	s1 =	sld [smem:$0x3F97];
	s0 =	simm.s32 @p0 $0x1  }
0x13: {  	[smem:$0x3FB2] =	sst s0;
	s0 =	simm.s32 @!p1 $0x0  }
0x14: {  	s2 =	sld [smem:$0x3F96];
	s0 =	simm.s32 @p1 $0x1  }
0x15: {  	[smem:$0x3FB3] =	sst s0;
	s0 =	simm.s32 @!p2 $0x0  }
0x16: {  	s3 =	sld [smem:$0x3FDB];
	s0 =	simm.s32 @p2 $0x1  }
0x17: {  	s4 =	simm.s32 $0x1BF5;
	[smem:$0x3FB5] =	sst s0  }
0x18: {  	s0 =	sld [smem:$0x3F98];
	_ =	swait.ge [sflag:s4], $0x0  }
0x19: {  	s7 =	sld [smem:$0x3F99]  }
0x1a: {  	s8 =	sadd.s32 $0xFFFFE003, lr  }
0x1b: {  	s9 =	sadd.s32 $0xFFFFFEF7, lr;
	s5 =	simm.s32 $0xFFFFFFFF;
	p2 =	slt.u32 s8, $0xFFFFF086  }
0x1c: {  	p1 =	slt.u32 s9, $0xF7A;
	s5 =	simm.s32 @!p2 $0x0  }
0x1d: {  	s5 =	simm.s32 @p1 $0x1;
	p0 =	seq.s32 s7, s2  }
0x1e: {  	s7 =	smul.u32 @!p0 $0xF7A, s2;
	p2 =	seq.s32 @!p0 s5, $0x0  }
0x1f: {  	s9 =	smul.u32 $0xF7A, s1;
	s8 =	simm.s32 @!p0 $0x1BF5;
	p2 =	por !p2, p0  }
0x20: {  	[sflag:s8] =	ssyncset.s32 @!p0 $0xFFFFF086;
	s6 =	sadd.s32 @!p0 s3, s7;
	s7 =	simm.s32 @!p0 $0x108  }
0x21: {  	s3 =	sadd.s32 s3, s9;
	s6 =	sadd.s32 @!p0 $0x88, s6;
	s7 =	simm.s32 @p2 $0x1082  }
0x22: {  	[simem:s7], [sflag:s8] =	dma.local @!p0 [hbm:s6], $0xF7A  }
0x23: {  	s9 =	sor.u32 $0xD0000000, s2;
	s6 =	simm.s32 $0x108;
	_ =	swait.ge @!p0 [sflag:s8], $0x0  }
0x24: {  	s3 =	sadd.s32 $0x88, s3;
	s6 =	simm.s32 @!p1 $0x1082;
	[sflag:s4] =	ssyncset.s32 $0xFFFFF086  }
0x25: {  	[simem:s6], [sflag:s4] =	dma.local [hbm:s3], $0xF7A  }
0x26: {  	[smem:$0x3F99] =	sst s1;
	(tag) =	ssettag s2;
	_ =	strace s9  }
0x27: {  	s1 =	sld [smem:$0x3FA9]  }
0x28: {  	s2 =	sld [smem:$0x3FAA]  }
0x29: {  	s4 =	sld [smem:$0x3FAC]  }
0x2a: {  	p0 =	seq.s32 s5, $0x0;
	s5 =	sld [smem:$0x3FAD]  }
0x2b: {  	s6 =	sld [smem:$0x3FAE]  }
0x2c: {  	s7 =	sld [smem:$0x3FAF]  }
0x2d: {  	s3 =	simm.s32 $0x108;
	s8 =	sld [smem:$0x3FB0]  }
0x2e: {  	s3 =	simm.s32 @!p0 $0x1082;
	s9 =	sld [smem:$0x3FB1]  }
0x2f: {  	lr =	sadd.s32 s0, s3;
	s0 =	sld [smem:$0x3FA8]  }
0x30: {  	s3 =	sld [smem:$0x3FAB]  }
0x31: {  	[smem:$0x3FB4] =	sst s10  }
0x32: {  	s10 =	sld [smem:$0x3FB2];
	_ =	sdelay $0x3  }
0x33: {  	p0 =	seq.s32 s10, $0x1;
	s10 =	sld [smem:$0x3FB4];
	_ =	sdelay $0x3  }
0x34: {  	[smem:$0x3FB4] =	sst s10  }
0x35: {  	s10 =	sld [smem:$0x3FB3];
	_ =	sdelay $0x3  }
0x36: {  	p1 =	seq.s32 s10, $0x1;
	s10 =	sld [smem:$0x3FB4];
	_ =	sdelay $0x3  }
0x37: {  	[smem:$0x3FB4] =	sst s10  }
0x38: {  	s10 =	sld [smem:$0x3FB5]  }
0x39: {  	_ = 	snop;
	(pc) =	sbr.ind lr, $3  }
0x3a: {  	_ = 	snop  }
0x3b: {  	_ = 	snop  }
0x3c: {  	p2 =	seq.s32 s10, $0x1;
	s10 =	sld [smem:$0x3FB4]  }
0x3d: {  	_ =	shalt  }
0x3e: {  	_ =	shalt  }
0x3f: {  	_ =	shalt  }
0x40: {  	_ =	shalt  }
0x41: {  	_ =	shalt  }
0x42: {  	_ =	shalt  }
0x43: {  	_ =	shalt  }
0x44: {  	_ =	shalt  }
0x45: {  	_ =	shalt  }
0x46: {  	_ =	shalt  }
0x47: {  	_ =	shalt  }
0x48: {  	_ =	shalt  }
0x49: {  	_ =	shalt  }
0x4a: {  	_ =	shalt  }
0x4b: {  	_ =	shalt  }
0x4c: {  	_ =	shalt  }
0x4d: {  	_ =	shalt  }
0x4e: {  	_ =	shalt  }
0x4f: {  	_ =	shalt  }
0x50: {  	_ =	shalt  }
0x51: {  	_ =	shalt  }
0x52: {  	_ =	shalt  }
0x53: {  	_ =	shalt  }
0x54: {  	_ =	shalt  }
0x55: {  	_ =	shalt  }
0x56: {  	_ =	shalt  }
0x57: {  	_ =	shalt  }
0x58: {  	_ =	shalt  }
0x59: {  	_ =	shalt  }
0x5a: {  	_ =	shalt  }
0x5b: {  	_ =	shalt  }
0x5c: {  	_ =	shalt  }
0x5d: {  	_ =	shalt  }
0x5e: {  	_ =	shalt  }
0x5f: {  	_ =	shalt  }
0x60: {  	_ =	shalt  }
0x61: {  	_ =	shalt  }
0x62: {  	_ =	shalt  }
0x63: {  	_ =	shalt  }
0x64: {  	_ =	shalt  }
0x65: {  	_ =	shalt  }
0x66: {  	_ =	shalt  }
0x67: {  	_ =	shalt  }
0x68: {  	_ =	shalt  }
0x69: {  	_ =	shalt  }
0x6a: {  	_ =	shalt  }
0x6b: {  	_ =	shalt  }
0x6c: {  	_ =	shalt  }
0x6d: {  	_ =	shalt  }
0x6e: {  	_ =	shalt  }
0x6f: {  	_ =	shalt  }
0x70: {  	_ =	shalt  }
0x71: {  	_ =	shalt  }
0x72: {  	_ =	shalt  }
0x73: {  	_ =	shalt  }
0x74: {  	_ =	shalt  }
0x75: {  	_ =	shalt  }
0x76: {  	_ =	shalt  }
0x77: {  	_ =	shalt  }
0x78: {  	_ =	shalt  }
0x79: {  	_ =	shalt  }
0x7a: {  	_ =	shalt  }
0x7b: {  	_ =	shalt  }
0x7c: {  	_ =	shalt  }
0x7d: {  	_ =	shalt  }
0x7e: {  	_ =	shalt  }
0x7f: {  	_ =	shalt  }
0x80: {  	_ =	shalt  }
0x81: {  	_ =	shalt  }
0x82: {  	_ =	shalt  }
0x83: {  	_ =	shalt  }
0x84: {  	_ =	shalt  }
0x85: {  	_ =	shalt  }
0x86: {  	_ =	shalt  }
0x87: {  	_ =	shalt  }
.Lfunc_end0:
.L_simem_size_0:
called_computation.1_lowered:
.L_overlay_start_0:
0x88: {  	s2 =	sld [smem:$0x3FD9]  }
0x89: {  	s3 =	sld [smem:$0x3FFE];
	_ =	sdelay $0x1  }
0x8a: {  	s1 =	srdreg.scid  }
0x8b: {  	s0 =	sand.u32 $0x1, s1  }
0x8c: {  	s17 =	sshll.u32 s0, $0xA;
	s2 =	sadd.s32 s3, s2  }
0x8d: {  	s2 =	sadd.s32 s2, s17  }
0x8e: {  	[smem:$0x3FC0] =	sst s2  }
0x8f: {  	_ = 	snop  }
0x90: {  	s2 =	sld [smem:$0x3FD0];
	(tm) =	ssettm $0x1  }
0x91: {  	s18 =	sld [smem:$0x3FFB];
	_ =	sdelay $0x3  }
0x92: {  	_ =	strace s18  }
0x93: {  	s3 =	sld [smem:$0x3FFC];
	_ =	sdelay $0x3  }
0x94: {  	_ =	strace s3  }
0x95: {  	s3 =	sld [smem:$0x3FFD];
	_ =	sdelay $0x3  }
0x96: {  	_ =	strace s3  }
0x97: {  	_ =	strace $0x8FFFFFFF  }
0x98: {  	s19 =	sld [smem:$0x3FDB];
	_ =	sdelay $0x1  }
0x99: {  	s4 =	simm.s32 $_scs_section_size  }
0x9a: {  	s5 =	simm.s32 $_size__tile_overlayer_lowered;
	s6 =	simm.s32 $_tile_overlayer_lowered  }
0x9b: {  	s22 =	simm.s32 $0x1BFF;
	s21 =	sshll.u32 s6, $0x1;
	s3 =	sadd.s32 s4, s19  }
0x9c: {  	s7 =	simm.s32 $0x0;
	s20 =	sshll.u32 s5, $0x1;
	s5 =	sadd.s32 s21, s3  }
0x9d: {  	[timem:s7], [sflag:s22] =	dma.local [hbm:s5], s20  }
0x9e: {  	_ =	swait.ge [sflag:s22], s20  }
0x9f: {  	s4 =	ssub.s32 $0x0, s20;
	[sflag:s22] =	ssyncset.done $0x0  }
0xa0: {  	[sflag:s22] =	ssyncadd.s32 s4;
	_ =	sdelay $0x1  }
0xa1: {  	s23 =	simm.s32 $0x1B8B  }
0xa2: {  	_ =	swait.ge [sflag:s23], $0x1  }
0xa3: {  	[sflag:s23] =	ssyncset.done $0x0  }
0xa4: {  	s25 =	simm.s32 $0x1B8E;
	s24 =	sld [smem:$0x3FFE];
	[sflag:s23] =	ssyncadd.s32 $0xFFFFFFFF  }
0xa5: {  	s26 =	simm.s32 $execute0_lowered;
	[smem:$0x3FD2] =	sst s25  }
0xa6: {  	s5 =	sshll.u32 s26, $0x1;
	_ =	strace $0x80000049;
	[dreg:$0x1] =	wrdreg $0xFFFFFFFF  }
0xa7: {  	s28 =	simm.s32 $_size_execute0_lowered;
	s3 =	sadd.s32 s3, s5;
	[dreg:$0x0] =	wrdreg $0x0  }
0xa8: {  	s5 =	sshll.u32 s28, $0x1;
	[dreg:$0x2] =	wrdreg s3  }
0xa9: {  	[dreg:$0x3] =	wrdreg s5  }
0xaa: {  	[dreg:$0x4] =	wrdreg $0xC0  }
0xab: {  	_ =	task [dreg:s7], $0x5FFFF  }
0xac: {  	[dreg:$0x1] =	wrdreg $0xFFFFFFFF  }
0xad: {  	[dreg:$0x0] =	wrdreg $0x60  }
0xae: {  	[dreg:$0x2] =	wrdreg s24  }
0xaf: {  	[dreg:$0x3] =	wrdreg s2  }
0xb0: {  	[dreg:$0x4] =	wrdreg $0x52000  }
0xb1: {  	[dreg:$0x5] =	wrdreg $0x54800  }
0xb2: {  	[dreg:$0x6] =	wrdreg $0x9  }
0xb3: {  	_ =	task.clear_ibuf [dreg:s7], $0x7FFFF;
	_ =	strace $0x90000049  }
0xb4: {  	s29 =	simm.s32 $0x9;
	_ =	strace $0x8000004B  }
0xb5: {  	_ =	swait.ge [sflag:s29], $0x1  }
0xb6: {  	[sflag:s29] =	ssyncadd.s32 $0xFFFFFFFF  }
0xb7: {  	_ =	strace $0x9000004B  }
0xb8: {  	_ =	sfence  }
0xb9: {  	s30 =	sld [smem:$0x0];
	_ =	sdelay $0x2  }
0xba: {  	s31 =	sshll.u32 s1, $0xD;
	s1 =	sshrl.u32 s1, $0x2  }
0xbb: {  	s3 =	sand.u32 $0x4000, s31;
	s1 =	sadd.s32 s1, s30  }
0xbc: {  	s0 =	sor.u32 s3, s0;
	s1 =	sshll.u32 s1, $0x11  }
0xbd: {  	s0 =	sor.u32 s1, s0  }
0xbe: {  	s0 =	sadd.s32 $0x8F2B, s0  }
0xbf: {  	[sflag:s0] =	ssyncadd.remote.s32 $0x1  }
0xc0: {  	_ =	sfence.sel $0xFFFF  }
0xc1: {  	[dreg:$0x0] =	wrdreg $0xFFFFFFFF;
	(pc) =	sbr.abs _section_cstart, $3  }
0xc2: {  	[dreg:$0x1] =	wrdreg $0xFFFFFFFF  }
0xc3: {  	_ =	task.clear_ibuf [dreg:s7], $0x2FFFF;
	_ =	strace $0x9FFFFFFF  }
0xc4: {  	(tm) =	ssettm $0x7FFFFFFF  }
0xc5: {  	_ =	shalt  }
tec
execute0_lowered:
.L_overlay_start_1:
0x0: {  	(tag) =	ssettag $0x1  }
0x1: {  	s2 =	rddreg [dreg:$0x0]  }
0x2: {  	s1 =	rddreg [dreg:$0x1]  }
0x3: {  	s3 =	rddreg [dreg:$0x2];
	s5 =	srdreg.scid  }
0x4: {  	s0 =	stileid.u32;
	s4 =	rddreg [dreg:$0x3];
	s12 =	simm.s32 $0x2800  }
0x5: {  	s16 =	simm.s32 $0x80;
	s17 =	simm.s32 $0x5000;
	s18 =	simm.s32 $0x5080  }
0x6: {  	s19 =	simm.s32 $0x100;
	s20 =	simm.s32 $0x5100;
	s21 =	simm.s32 $0x180  }
0x7: {  	s22 =	simm.s32 $0x5180;
	s23 =	simm.s32 $0x1;
	s24 =	simm.s32 $0x2  }
0x8: {  	s25 =	simm.s32 $0x0;
	s6 =	sand.u32 $0x1, s5;
	s7 =	smul.u32 $0x5000, s0  }
0x9: {  	s5 =	simm.s32 $0x0;
	s9 =	smul.u32 $0x280, s0;
	s13 =	sshll.u32 s0, $0x6  }
0xa: {  	s8 =	smul.u32 $0x2800, s6;
	[smem:$0x7FF] =	sst s5;
	s6 =	ssub.s32 $0x2, s6  }
0xb: {  	s13 =	sor.u32 $0x1C03, s13;
	_ =	strace $0x8000004A;
	s10 =	sshrl.u32 s6, $0x1  }
0xc: {  	s30 =	sshrl.u32 s9, $0x3;
	s14 =	sadd.s32 s9, s3;
	s31 =	sadd.s32 s9, s4  }
0xd: {  	s7 =	sadd.s32 s8, s7;
	s8 =	sadd.s32 s9, s8;
	s10 =	ssub.s32 s6, s10  }
0xe: {  	s14 =	sshrl.u32 s14, $0x3;
	s15 =	sshrl.u32 s31, $0x3;
	s7 =	sshrl.u32 s7, $0x3  }
0xf: {  	s8 =	sshrl.u32 s8, $0x3;
	s10 =	smax.u32 s10, $0x1;
	s7 =	sadd.s32 s7, s2  }
0x10: {  	s11 =	sadd.s32 s8, s2;
	s8 =	sadd.s32 s2, s30;
	s6 =	sadd.s32 $0x1E000, s7  }
0x11: {  	s7 =	sadd.s32 $0x14000, s7;
	s9 =	sadd.s32 $0x600, s11;
	s11 =	simm.s32 $0x3  }
.LBB2_1:
0x12: {  	[tilespmem:s5], [sflag:$0x3] =	stream.linear.gather [hbm4b:s6+s5], $0x2800, $0x38;
	[tilespmem:$0x5700] =	vst v63  }
0x13: {  	_ =	swait.ge [sflag:s11], $0x2800  }
0x14: {  	[sflag:s11] =	ssyncset.done $0x0  }
0x15: {  	[sflag:s11] =	ssyncadd.s32 $0xFFFFD800  }
0x16: {  	[tilespmem:s12], [sflag:$0x3] =	stream.linear.gather [hbm4b:s7+s5], $0x2800, $0x38;
	[tilespmem:$0x5700] =	vst v63  }
0x17: {  	_ =	swait.ge [sflag:s11], $0x2800  }
0x18: {  	[sflag:s11] =	ssyncset.done $0x0  }
0x19: {  	[sflag:s11] =	ssyncadd.s32 $0xFFFFD800  }
0x1a: {  	[spmem:s14], [sflag:s13] =	dma.local [hbm:s8], $0x50  }
0x1b: {  	_ =	swait.ge [sflag:s11], $0x50  }
0x1c: {  	[sflag:s11] =	ssyncset.done $0x0  }
0x1d: {  	[sflag:s11] =	ssyncadd.s32 $0xFFFFFFB0  }
0x1e: {  	[spmem:s15], [sflag:s13] =	dma.local [hbm:s1], $0x50  }
0x1f: {  	_ =	swait.ge [sflag:s11], $0x50  }
0x20: {  	[sflag:s11] =	ssyncset.done $0x0  }
0x21: {  	[sflag:s11] =	ssyncadd.s32 $0xFFFFFFB0  }
0x22: {  	[bflag:$0x0] =	sbarrier.arrive $0xFFFF  }
0x23: {  	[tilespmem:s17], [sflag:$0x1] =	stream.indirect.gather [spmem:s3], $0x1, s5, s16, $0xb8;
	[tilespmem:$0x5700] =	vst v63  }
0x24: {  	_ = 	snop  }
0x25: {  	[tilespmem:s18], [sflag:$0x1] =	stream.indirect.gather [spmem:s3], $0x1, s16, s16, $0xb8;
	[tilespmem:$0x5700] =	vst v63  }
0x26: {  	_ = 	snop  }
0x27: {  	[tilespmem:s20], [sflag:$0x1] =	stream.indirect.gather [spmem:s3], $0x1, s19, s16, $0xb8;
	[tilespmem:$0x5700] =	vst v63  }
0x28: {  	_ = 	snop  }
0x29: {  	[tilespmem:s22], [sflag:$0x1] =	stream.indirect.gather [spmem:s3], $0x1, s21, s16, $0xb8;
	[tilespmem:$0x5700] =	vst v63  }
0x2a: {  	s2 =	sand.u32 $0x600, s5;
	p0 =	por $0x0, $0x0;
	_ =	swait.ge [sflag:s23], $0x80  }
0x2b: {  	s26 =	simm.s32 $0x2800;
	s2 =	sshrl.u32 s2, $0x2;
	[sflag:s23] =	ssyncset.done $0x0  }
0x2c: {  	s30 =	simm.s32 @!p0 $0x2;
	s29 =	sor.u32 $0x5000, s2;
	[sflag:s23] =	ssyncadd.s32 $0xFFFFFF80  }
0x2d: {  	[spmem:s4] =	stream.indirect.scatter.add.f32 [tilespmem:s29], [sflag:$0x2], $0x1, s26, s16, $0xb8;
	[tilespmem:$0x5700] =	vst v63  }
0x2e: {  	s28 =	simm.s32 $0x0;
	s31 =	simm.s32 @!p0 $0x200;
	_ =	swait.ge @!p0 [sflag:s30], $0x80  }
0x2f: {  	s2 =	simm.s32 @!p0 $0x80;
	s26 =	simm.s32 $0x1;
	[sflag:s30] =	ssyncset.done @!p0 $0x0  }
.LBB2_2:
0x30: {  	[sflag:s30] =	ssyncadd.s32 @!p0 $0xFFFFFF80  }
0x31: {  	s28 =	sadd.s32 $0x200, s28;
	s30 =	smov.u32 s26;
	s26 =	sadd.s32 $0x1, s26  }
0x32: {  	[tilespmem:s29], [sflag:$0x1] =	stream.indirect.gather @!p0 [spmem:s3], $0x1, s31, s2, $0xb8;
	[tilespmem:$0x5700] =	vst v63  }
0x33: {  	p1 =	sne.s32 s26, $0x50;
	s2 =	sand.u32 $0x600, s28  }
0x34: {  	p0 =	sgt.u32 s30, $0x4B;
	s2 =	sshrl.u32 s2, $0x2;
	_ =	swait.ge [sflag:s23], $0x80  }
0x35: {  	s31 =	sshra.s32 s28, $0x2;
	s30 =	simm.s32 @!p0 $0x2;
	s29 =	sor.u32 $0x5000, s2  }
.Ltmp0:
0x36: {  	s2 =	sadd.s32 $0x2800, s31;
	[sflag:s23] =	ssyncset.done $0x0;
	(pc) =	sbr.rel @p1 .LBB2_2-.Ltmp0, $4  }
0x37: {  	s31 =	sshra.s32 @!p0 s28, $0x2;
	[sflag:s23] =	ssyncadd.s32 $0xFFFFFF80  }
0x38: {  	[spmem:s4] =	stream.indirect.scatter.add.f32 [tilespmem:s29], [sflag:$0x2], $0x1, s2, s16, $0xb8;
	[tilespmem:$0x5700] =	vst v63  }
0x39: {  	s31 =	sadd.s32 @!p0 $0x200, s31;
	_ =	swait.ge @!p0 [sflag:s30], $0x80  }
0x3a: {  	s2 =	simm.s32 @!p0 $0x80;
	[sflag:s30] =	ssyncset.done @!p0 $0x0  }
0x3b: {  	[sflag:s30] =	ssyncadd.s32 @!p0 $0xFFFFFF80  }
0x3c: {  	[tilespmem:s29], [sflag:$0x1] =	stream.indirect.gather @!p0 [spmem:s3], $0x1, s31, s2, $0xb8;
	[tilespmem:$0x5700] =	vst v63  }
0x3d: {  	_ =	swait.ge [sflag:s24], $0x80  }
0x3e: {  	[sflag:s24] =	ssyncset.done $0x0  }
0x3f: {  	[sflag:s24] =	ssyncadd.s32 $0xFFFFFF80  }
0x40: {  	_ =	swait.ge [sflag:s24], $0x80  }
0x41: {  	[sflag:s24] =	ssyncset.done $0x0  }
0x42: {  	[sflag:s24] =	ssyncadd.s32 $0xFFFFFF80  }
0x43: {  	_ =	swait.ge [sflag:s24], $0x80  }
0x44: {  	[sflag:s24] =	ssyncset.done $0x0  }
0x45: {  	[sflag:s24] =	ssyncadd.s32 $0xFFFFFF80  }
0x46: {  	_ =	swait.ge [sflag:s24], $0x80  }
0x47: {  	s25 =	sadd.s32 $0x1, s25;
	[sflag:s24] =	ssyncset.done $0x0  }
0x48: {  	p0 =	sne.s32 s25, s10;
	[sflag:s24] =	ssyncadd.s32 $0xFFFFFF80  }
.Ltmp1:
0x49: {  	[bflag:$0x0] =	sbarrier.arrive $0xFFFF;
	(pc) =	sbr.rel @p0 .LBB2_1-.Ltmp1, $4  }
0x4a: {  	[hbm:s9], [sflag:s13] =	dma.local [spmem:s15], $0x50  }
0x4b: {  	_ =	swait.ge [sflag:s11], $0x50  }
0x4c: {  	[sflag:s11] =	ssyncset.done $0x0  }
0x4d: {  	[sflag:s11] =	ssyncadd.s32 $0xFFFFFFB0  }
0x4e: {  	_ =	sfence.sel $0x180000  }
0x4f: {  	[bflag:$0x0] =	sbarrier.arrive $0xFFFF  }
0x50: {  	_ =	strace $0x9000004A  }
0x51: {  	[bflag:$0x2] =	sbarrier.arrive $0xFFFF  }
0x52: {  	p0 =	sne.s32 s0, $0x0;
	s0 =	rddreg [dreg:$0x4]  }
0x53: {  	s0 =	sadd.s32 @!p0 $0x100000, s0  }
0x54: {  	[sflag:s0] =	ssyncadd.tile.s32 @!p0 $0x1;
	_ =	shalt  }
.Lfunc_end2:
_tile_overlayer_lowered:
.L_overlay_start_2:
0x55: {  	(tag) =	ssettag $0x2  }
0x56: {  	s0 =	rddreg [dreg:$0x0];
	s2 =	stileid.u32  }
0x57: {  	s1 =	rddreg [dreg:$0x1];
	p0 =	sne.s32 s2, $0x0  }
0x58: {  	s3 =	rddreg [dreg:$0x2];
	[bflag:$0x3] =	sbarrier.arrive $0xFFFF;
	s2 =	simm.s32 @!p0 $0x1C03  }
0x59: {  	[timem:s3], [sflag:s2] =	dma.local @!p0 [hbm:s0], s1  }
0x5a: {  	s0 =	simm.s32 @!p0 $0x3  }
0x5b: {  	_ =	swait.ge @!p0 [sflag:s0], s1  }
0x5c: {  	s1 =	ssub.s32 @!p0 $0x0, s1;
	[sflag:s0] =	ssyncset.done @!p0 $0x0  }
0x5d: {  	[sflag:s0] =	ssyncadd.s32 @!p0 s1  }
0x5e: {  	[bflag:$0x3] =	sbarrier.arrive $0xFFFF  }
0x5f: {  	_ =	shalt  }

// kernel: kernel.7.cloned.1.call-start
scs
__scs_entry_jumppad:
0x0: {  	(pc) =	sbr.rel $0x88, $3  }
0x1: {  	(tag) =	ssettag $0x0;
	lr =	simm.s32 $0x1  }
0x2: {  	[smem:$0x3F99] =	sst lr;
	_ =	strace $0xD0000000  }
0x3: {  	_ = 	snop  }
0x4: {  	_ = 	snop  }
0x5: {  	_ = 	snop  }
0x6: {  	_ = 	snop  }
0x7: {  	_ = 	snop  }
__scs_overlays_trampoline_lowered:
0x8: {  	[smem:$0x3FA8] =	sst s0  }
0x9: {  	[smem:$0x3FA9] =	sst s1  }
0xa: {  	[smem:$0x3FAA] =	sst s2  }
0xb: {  	[smem:$0x3FAB] =	sst s3  }
0xc: {  	[smem:$0x3FAC] =	sst s4  }
0xd: {  	[smem:$0x3FAD] =	sst s5  }
0xe: {  	[smem:$0x3FAE] =	sst s6  }
0xf: {  	[smem:$0x3FAF] =	sst s7  }
0x10: {  	[smem:$0x3FB0] =	sst s8  }
0x11: {  	[smem:$0x3FB1] =	sst s9;
	s0 =	simm.s32 @!p0 $0x0  }
0x12: {  	s1 =	sld [smem:$0x3F97];
	s0 =	simm.s32 @p0 $0x1  }
0x13: {  	[smem:$0x3FB2] =	sst s0;
	s0 =	simm.s32 @!p1 $0x0  }
0x14: {  	s2 =	sld [smem:$0x3F96];
	s0 =	simm.s32 @p1 $0x1  }
0x15: {  	[smem:$0x3FB3] =	sst s0;
	s0 =	simm.s32 @!p2 $0x0  }
0x16: {  	s3 =	sld [smem:$0x3FDB];
	s0 =	simm.s32 @p2 $0x1  }
0x17: {  	s4 =	simm.s32 $0x1BF5;
	[smem:$0x3FB5] =	sst s0  }
0x18: {  	s0 =	sld [smem:$0x3F98];
	_ =	swait.ge [sflag:s4], $0x0  }
0x19: {  	s7 =	sld [smem:$0x3F99]  }
0x1a: {  	s8 =	sadd.s32 $0xFFFFE003, lr  }
0x1b: {  	s9 =	sadd.s32 $0xFFFFFEF7, lr;
	s5 =	simm.s32 $0xFFFFFFFF;
	p2 =	slt.u32 s8, $0xFFFFF086  }
0x1c: {  	p1 =	slt.u32 s9, $0xF7A;
	s5 =	simm.s32 @!p2 $0x0  }
0x1d: {  	s5 =	simm.s32 @p1 $0x1;
	p0 =	seq.s32 s7, s2  }
0x1e: {  	s7 =	smul.u32 @!p0 $0xF7A, s2;
	p2 =	seq.s32 @!p0 s5, $0x0  }
0x1f: {  	s9 =	smul.u32 $0xF7A, s1;
	s8 =	simm.s32 @!p0 $0x1BF5;
	p2 =	por !p2, p0  }
0x20: {  	[sflag:s8] =	ssyncset.s32 @!p0 $0xFFFFF086;
	s6 =	sadd.s32 @!p0 s3, s7;
	s7 =	simm.s32 @!p0 $0x108  }
0x21: {  	s3 =	sadd.s32 s3, s9;
	s6 =	sadd.s32 @!p0 $0x88, s6;
	s7 =	simm.s32 @p2 $0x1082  }
0x22: {  	[simem:s7], [sflag:s8] =	dma.local @!p0 [hbm:s6], $0xF7A  }
0x23: {  	s9 =	sor.u32 $0xD0000000, s2;
	s6 =	simm.s32 $0x108;
	_ =	swait.ge @!p0 [sflag:s8], $0x0  }
0x24: {  	s3 =	sadd.s32 $0x88, s3;
	s6 =	simm.s32 @!p1 $0x1082;
	[sflag:s4] =	ssyncset.s32 $0xFFFFF086  }
0x25: {  	[simem:s6], [sflag:s4] =	dma.local [hbm:s3], $0xF7A  }
0x26: {  	[smem:$0x3F99] =	sst s1;
	(tag) =	ssettag s2;
	_ =	strace s9  }
0x27: {  	s1 =	sld [smem:$0x3FA9]  }
0x28: {  	s2 =	sld [smem:$0x3FAA]  }
0x29: {  	s4 =	sld [smem:$0x3FAC]  }
0x2a: {  	p0 =	seq.s32 s5, $0x0;
	s5 =	sld [smem:$0x3FAD]  }
0x2b: {  	s6 =	sld [smem:$0x3FAE]  }
0x2c: {  	s7 =	sld [smem:$0x3FAF]  }
0x2d: {  	s3 =	simm.s32 $0x108;
	s8 =	sld [smem:$0x3FB0]  }
0x2e: {  	s3 =	simm.s32 @!p0 $0x1082;
	s9 =	sld [smem:$0x3FB1]  }
0x2f: {  	lr =	sadd.s32 s0, s3;
	s0 =	sld [smem:$0x3FA8]  }
0x30: {  	s3 =	sld [smem:$0x3FAB]  }
0x31: {  	[smem:$0x3FB4] =	sst s10  }
0x32: {  	s10 =	sld [smem:$0x3FB2];
	_ =	sdelay $0x3  }
0x33: {  	p0 =	seq.s32 s10, $0x1;
	s10 =	sld [smem:$0x3FB4];
	_ =	sdelay $0x3  }
0x34: {  	[smem:$0x3FB4] =	sst s10  }
0x35: {  	s10 =	sld [smem:$0x3FB3];
	_ =	sdelay $0x3  }
0x36: {  	p1 =	seq.s32 s10, $0x1;
	s10 =	sld [smem:$0x3FB4];
	_ =	sdelay $0x3  }
0x37: {  	[smem:$0x3FB4] =	sst s10  }
0x38: {  	s10 =	sld [smem:$0x3FB5]  }
0x39: {  	_ = 	snop;
	(pc) =	sbr.ind lr, $3  }
0x3a: {  	_ = 	snop  }
0x3b: {  	_ = 	snop  }
0x3c: {  	p2 =	seq.s32 s10, $0x1;
	s10 =	sld [smem:$0x3FB4]  }
0x3d: {  	_ =	shalt  }
0x3e: {  	_ =	shalt  }
0x3f: {  	_ =	shalt  }
0x40: {  	_ =	shalt  }
0x41: {  	_ =	shalt  }
0x42: {  	_ =	shalt  }
0x43: {  	_ =	shalt  }
0x44: {  	_ =	shalt  }
0x45: {  	_ =	shalt  }
0x46: {  	_ =	shalt  }
0x47: {  	_ =	shalt  }
0x48: {  	_ =	shalt  }
0x49: {  	_ =	shalt  }
0x4a: {  	_ =	shalt  }
0x4b: {  	_ =	shalt  }
0x4c: {  	_ =	shalt  }
0x4d: {  	_ =	shalt  }
0x4e: {  	_ =	shalt  }
0x4f: {  	_ =	shalt  }
0x50: {  	_ =	shalt  }
0x51: {  	_ =	shalt  }
0x52: {  	_ =	shalt  }
0x53: {  	_ =	shalt  }
0x54: {  	_ =	shalt  }
0x55: {  	_ =	shalt  }
0x56: {  	_ =	shalt  }
0x57: {  	_ =	shalt  }
0x58: {  	_ =	shalt  }
0x59: {  	_ =	shalt  }
0x5a: {  	_ =	shalt  }
0x5b: {  	_ =	shalt  }
0x5c: {  	_ =	shalt  }
0x5d: {  	_ =	shalt  }
0x5e: {  	_ =	shalt  }
0x5f: {  	_ =	shalt  }
0x60: {  	_ =	shalt  }
0x61: {  	_ =	shalt  }
0x62: {  	_ =	shalt  }
0x63: {  	_ =	shalt  }
0x64: {  	_ =	shalt  }
0x65: {  	_ =	shalt  }
0x66: {  	_ =	shalt  }
0x67: {  	_ =	shalt  }
0x68: {  	_ =	shalt  }
0x69: {  	_ =	shalt  }
0x6a: {  	_ =	shalt  }
0x6b: {  	_ =	shalt  }
0x6c: {  	_ =	shalt  }
0x6d: {  	_ =	shalt  }
0x6e: {  	_ =	shalt  }
0x6f: {  	_ =	shalt  }
0x70: {  	_ =	shalt  }
0x71: {  	_ =	shalt  }
0x72: {  	_ =	shalt  }
0x73: {  	_ =	shalt  }
0x74: {  	_ =	shalt  }
0x75: {  	_ =	shalt  }
0x76: {  	_ =	shalt  }
0x77: {  	_ =	shalt  }
0x78: {  	_ =	shalt  }
0x79: {  	_ =	shalt  }
0x7a: {  	_ =	shalt  }
0x7b: {  	_ =	shalt  }
0x7c: {  	_ =	shalt  }
0x7d: {  	_ =	shalt  }
0x7e: {  	_ =	shalt  }
0x7f: {  	_ =	shalt  }
0x80: {  	_ =	shalt  }
0x81: {  	_ =	shalt  }
0x82: {  	_ =	shalt  }
0x83: {  	_ =	shalt  }
0x84: {  	_ =	shalt  }
0x85: {  	_ =	shalt  }
0x86: {  	_ =	shalt  }
0x87: {  	_ =	shalt  }
.Lfunc_end0:
.L_simem_size_0:
called_computation_lowered:
.L_overlay_start_0:
0x88: {  	s2 =	sld [smem:$0x3FD9]  }
0x89: {  	s3 =	sld [smem:$0x3FFE];
	_ =	sdelay $0x1  }
0x8a: {  	s1 =	srdreg.scid  }
0x8b: {  	s0 =	sand.u32 $0x1, s1  }
0x8c: {  	s17 =	sshll.u32 s0, $0xA;
	s2 =	sadd.s32 s3, s2  }
0x8d: {  	s2 =	sadd.s32 s2, s17  }
0x8e: {  	[smem:$0x3FC0] =	sst s2  }
0x8f: {  	_ = 	snop  }
0x90: {  	s2 =	sld [smem:$0x3FD0];
	(tm) =	ssettm $0x1  }
0x91: {  	s18 =	sld [smem:$0x3FFB];
	_ =	sdelay $0x3  }
0x92: {  	_ =	strace s18  }
0x93: {  	s3 =	sld [smem:$0x3FFC];
	_ =	sdelay $0x3  }
0x94: {  	_ =	strace s3  }
0x95: {  	s3 =	sld [smem:$0x3FFD];
	_ =	sdelay $0x3  }
0x96: {  	_ =	strace s3  }
0x97: {  	_ =	strace $0x8FFFFFFF  }
0x98: {  	s19 =	sld [smem:$0x3FDB];
	_ =	sdelay $0x1  }
0x99: {  	s4 =	simm.s32 $_scs_section_size  }
0x9a: {  	s5 =	simm.s32 $_size__tile_overlayer_lowered;
	s6 =	simm.s32 $_tile_overlayer_lowered  }
0x9b: {  	s22 =	simm.s32 $0x1BFF;
	s21 =	sshll.u32 s6, $0x1;
	s3 =	sadd.s32 s4, s19  }
0x9c: {  	s7 =	simm.s32 $0x0;
	s20 =	sshll.u32 s5, $0x1;
	s5 =	sadd.s32 s21, s3  }
0x9d: {  	[timem:s7], [sflag:s22] =	dma.local [hbm:s5], s20  }
0x9e: {  	_ =	swait.ge [sflag:s22], s20  }
0x9f: {  	s4 =	ssub.s32 $0x0, s20;
	[sflag:s22] =	ssyncset.done $0x0  }
0xa0: {  	[sflag:s22] =	ssyncadd.s32 s4;
	_ =	sdelay $0x1  }
0xa1: {  	s23 =	simm.s32 $0x1B8B  }
0xa2: {  	_ =	swait.ge [sflag:s23], $0x1  }
0xa3: {  	[sflag:s23] =	ssyncset.done $0x0  }
0xa4: {  	s25 =	simm.s32 $0x1B8E;
	s24 =	sld [smem:$0x3FFE];
	[sflag:s23] =	ssyncadd.s32 $0xFFFFFFFF  }
0xa5: {  	s26 =	simm.s32 $execute0_lowered;
	[smem:$0x3FD2] =	sst s25  }
0xa6: {  	s5 =	sshll.u32 s26, $0x1;
	_ =	strace $0x80000046;
	[dreg:$0x1] =	wrdreg $0xFFFFFFFF  }
0xa7: {  	s28 =	simm.s32 $_size_execute0_lowered;
	s3 =	sadd.s32 s3, s5;
	[dreg:$0x0] =	wrdreg $0x0  }
0xa8: {  	s5 =	sshll.u32 s28, $0x1;
	[dreg:$0x2] =	wrdreg s3  }
0xa9: {  	[dreg:$0x3] =	wrdreg s5  }
0xaa: {  	[dreg:$0x4] =	wrdreg $0xC0  }
0xab: {  	_ =	task [dreg:s7], $0x5FFFF  }
0xac: {  	[dreg:$0x1] =	wrdreg $0xFFFFFFFF  }
0xad: {  	[dreg:$0x0] =	wrdreg $0x60  }
0xae: {  	[dreg:$0x2] =	wrdreg s24  }
0xaf: {  	[dreg:$0x3] =	wrdreg s2  }
0xb0: {  	[dreg:$0x4] =	wrdreg $0xE0800  }
0xb1: {  	[dreg:$0x5] =	wrdreg $0x130800  }
0xb2: {  	[dreg:$0x6] =	wrdreg $0x180800  }
0xb3: {  	[dreg:$0x7] =	wrdreg $0x9  }
0xb4: {  	_ =	task.clear_ibuf [dreg:s7], $0x8FFFF;
	_ =	strace $0x90000046  }
0xb5: {  	s29 =	simm.s32 $0x9;
	_ =	strace $0x80000048  }
0xb6: {  	_ =	swait.ge [sflag:s29], $0x1  }
0xb7: {  	[sflag:s29] =	ssyncadd.s32 $0xFFFFFFFF  }
0xb8: {  	_ =	strace $0x90000048  }
0xb9: {  	_ =	sfence  }
0xba: {  	s30 =	sld [smem:$0x0];
	_ =	sdelay $0x2  }
0xbb: {  	s31 =	sshll.u32 s1, $0xD;
	s1 =	sshrl.u32 s1, $0x2  }
0xbc: {  	s3 =	sand.u32 $0x4000, s31;
	s1 =	sadd.s32 s1, s30  }
0xbd: {  	s0 =	sor.u32 s3, s0;
	s1 =	sshll.u32 s1, $0x11  }
0xbe: {  	s0 =	sor.u32 s1, s0  }
0xbf: {  	s0 =	sadd.s32 $0x8F2B, s0  }
0xc0: {  	[sflag:s0] =	ssyncadd.remote.s32 $0x1  }
0xc1: {  	_ =	sfence.sel $0xFFFF  }
0xc2: {  	[dreg:$0x0] =	wrdreg $0xFFFFFFFF;
	(pc) =	sbr.abs _section_cstart, $3  }
0xc3: {  	[dreg:$0x1] =	wrdreg $0xFFFFFFFF  }
0xc4: {  	_ =	task.clear_ibuf [dreg:s7], $0x2FFFF;
	_ =	strace $0x9FFFFFFF  }
0xc5: {  	(tm) =	ssettm $0x7FFFFFFF  }
tec
execute0_lowered:
.L_overlay_start_1:
0x0: {  	(tag) =	ssettag $0x1  }
0x1: {  	s0 =	rddreg [dreg:$0x0]  }
0x2: {  	s2 =	rddreg [dreg:$0x2]  }
0x3: {  	s3 =	rddreg [dreg:$0x3]  }
0x4: {  	s5 =	rddreg [dreg:$0x4];
	s6 =	simm.s32 $0x0;
	s19 =	stileid.u32  }
0x5: {  	s7 =	srdreg.scid;
	s22 =	simm.s32 $0x80;
	s1 =	smul.u32 $0xA00, s19  }
0x6: {  	s30 =	simm.s32 $0x1;
	s31 =	simm.s32 $0x2;
	s11 =	smul.u32 $0x5000, s19  }
0x7: {  	[smem:$0x7FF] =	sst s6;
	s4 =	sadd.s32 $0xA000, s0;
	s12 =	smul.u32 $0x280, s19  }
0x8: {  	s13 =	sand.u32 $0x1, s7;
	s7 =	sadd.s32 $0x28200, s0;
	s8 =	sadd.s32 $0x28000, s0  }
0x9: {  	s29 =	sshll.u32 s19, $0x6;
	_ =	strace $0x80000047;
	s9 =	ssub.s32 $0x2, s13  }
0xa: {  	p0 =	seq.s32 s13, $0x0;
	s19 =	sor.u32 $0x1C04, s29;
	s1 =	sadd.s32 s1, s0  }
0xb: {  	s14 =	sshrl.u32 s11, $0x3;
	s10 =	sshrl.u32 s12, $0x3;
	s15 =	sshrl.u32 s9, $0x1  }
0xc: {  	s24 =	sadd.s32 s11, s2;
	s18 =	sadd.s32 s11, s3;
	s11 =	sadd.s32 s12, s5  }
0xd: {  	s4 =	smov.u32 @p0 s0;
	p0 =	sne.s32 s13, $0x0;
	s16 =	sadd.s32 s14, s0  }
0xe: {  	s17 =	sadd.s32 s10, s0;
	s15 =	ssub.s32 s9, s15;
	s9 =	sadd.s32 $0x1E000, s1  }
.Ltmp0:
0xf: {  	s10 =	sadd.s32 $0x14000, s1;
	s20 =	sshrl.u32 s24, $0x3;
	(pc) =	sbr.rel .LBB2_1-.Ltmp0, $4  }
0x10: {  	s21 =	sshrl.u32 s18, $0x3;
	s0 =	simm.s32 $0x3;
	s25 =	sadd.s32 $0x32C00, s16  }
0x11: {  	s26 =	sadd.s32 $0x28C00, s16;
	s28 =	sadd.s32 $0x3CC00, s17;
	[dreg:$0x6] =	wrdreg s25  }
0x12: {  	s15 =	smax.u32 s15, $0x1;
	s16 =	sadd.s32 s4, s14;
	[dreg:$0x7] =	wrdreg s26  }
0x13: {  	s17 =	simm.s32 $0x4;
	s4 =	simm.s32 $0x0;
	[dreg:$0x8] =	wrdreg s28  }
.LBB2_7:
0x14: {  	[bflag:$0x0] =	sbarrier.arrive $0xFFFF  }
0x15: {  	s1 =	rddreg [dreg:$0x6]  }
0x16: {  	[hbm:s1], [sflag:s19] =	dma.local [spmem:s21], $0xA00  }
0x17: {  	_ =	swait.ge [sflag:s17], $0xA00  }
0x18: {  	[sflag:s17] =	ssyncset.done $0x0  }
0x19: {  	[sflag:s17] =	ssyncadd.s32 $0xFFFFF600  }
.LBB2_8:
0x1a: {  	s4 =	sadd.s32 $0x1, s4  }
0x1b: {  	p1 =	sne.s32 s4, s15  }
.Ltmp1:
0x1c: {  	_ = 	snop;
	(pc) =	sbr.rel @!p1 .LBB2_9-.Ltmp1, $1  }
0x1d: {  	_ =	sdelay $0x3  }
.LBB2_1:
0x1e: {  	[tilespmem:s6], [sflag:$0x4] =	stream.linear.gather [hbm4b:s9+s6], $0x5000, $0x38;
	[tilespmem:$0x18300] =	vst v63  }
0x1f: {  	_ =	swait.ge [sflag:s17], $0x5000  }
0x20: {  	[sflag:s17] =	ssyncset.done $0x0  }
0x21: {  	s14 =	simm.s32 $0x5000;
	[sflag:s17] =	ssyncadd.s32 $0xFFFFB000  }
0x22: {  	[tilespmem:s14], [sflag:$0x4] =	stream.linear.gather [hbm4b:s10+s6], $0x5000, $0x38;
	[tilespmem:$0x18300] =	vst v63  }
0x23: {  	_ =	swait.ge [sflag:s17], $0x5000  }
0x24: {  	[sflag:s17] =	ssyncset.done $0x0  }
0x25: {  	s1 =	simm.s32 $0xE000;
	[sflag:s17] =	ssyncadd.s32 $0xFFFFB000  }
0x26: {  	[tilespmem:s1], [sflag:$0x4] =	stream.linear.gather [hbm4b:s8+s6], $0x80, $0x38;
	[tilespmem:$0x18300] =	vst v63  }
0x27: {  	_ =	swait.ge [sflag:s17], $0x80  }
0x28: {  	[sflag:s17] =	ssyncset.done $0x0  }
0x29: {  	[sflag:s17] =	ssyncadd.s32 $0xFFFFFF80  }
0x2a: {  	[spmem:s20], [sflag:s19] =	dma.local [hbm:s16], $0xA00  }
0x2b: {  	_ =	swait.ge [sflag:s17], $0xA00  }
0x2c: {  	[sflag:s17] =	ssyncset.done $0x0  }
0x2d: {  	[sflag:s17] =	ssyncadd.s32 $0xFFFFF600  }
0x2e: {  	[spmem:s21], [sflag:s19] =	dma.local [hbm:s7], $0xA00  }
0x2f: {  	_ =	swait.ge [sflag:s17], $0xA00  }
0x30: {  	[sflag:s17] =	ssyncset.done $0x0  }
0x31: {  	[sflag:s17] =	ssyncadd.s32 $0xFFFFF600  }
0x32: {  	s1 =	sshrl.u32 s11, $0x3;
	s12 =	rddreg [dreg:$0x1]  }
0x33: {  	[spmem:s1], [sflag:s19] =	dma.local [hbm:s12], $0x50  }
0x34: {  	_ =	swait.ge [sflag:s17], $0x50  }
0x35: {  	[sflag:s17] =	ssyncset.done $0x0  }
0x36: {  	[sflag:s17] =	ssyncadd.s32 $0xFFFFFFB0  }
0x37: {  	s13 =	simm.s32 $0xA000;
	[bflag:$0x0] =	sbarrier.arrive $0xFFFF  }
0x38: {  	[tilespmem:s13], [sflag:$0x1] =	stream.indirect.gather [spmem:s2], $0x20, s6, s22, $0xb8;
	[tilespmem:$0x18300] =	vst v63  }
0x39: {  	s18 =	simm.s32 $0xB000  }
0x3a: {  	[tilespmem:s18], [sflag:$0x1] =	stream.indirect.gather [spmem:s2], $0x20, s22, s22, $0xb8;
	[tilespmem:$0x18300] =	vst v63  }
0x3b: {  	s23 =	simm.s32 $0x100;
	s13 =	simm.s32 $0xC000  }
0x3c: {  	[tilespmem:s13], [sflag:$0x1] =	stream.indirect.gather [spmem:s2], $0x20, s23, s22, $0xb8;
	[tilespmem:$0x18300] =	vst v63  }
0x3d: {  	s24 =	simm.s32 $0x180;
	s25 =	simm.s32 $0xD000  }
0x3e: {  	[tilespmem:s25], [sflag:$0x1] =	stream.indirect.gather [spmem:s2], $0x20, s24, s22, $0xb8;
	[tilespmem:$0x18300] =	vst v63  }
0x3f: {  	s26 =	sand.u32 $0xC000, s6;
	p1 =	por $0x0, $0x0;
	_ =	swait.ge [sflag:s30], $0x1000  }
0x40: {  	s28 =	simm.s32 @!p1 $0x2;
	s12 =	sshrl.u32 s26, $0x2;
	[sflag:s30] =	ssyncset.done $0x0  }
0x41: {  	s29 =	simm.s32 @!p1 $0x80;
	s18 =	sadd.s32 $0xA000, s12;
	[sflag:s30] =	ssyncadd.s32 $0xFFFFF000  }
0x42: {  	[spmem:s3] =	stream.indirect.scatter.add.f32 [tilespmem:s18], [sflag:$0x2], $0x20, s14, s22, $0xb8;
	[tilespmem:$0x18300] =	vst v63  }
0x43: {  	s26 =	simm.s32 $0x200;
	s12 =	simm.s32 @!p0 $0x80;
	s13 =	simm.s32 @!p0 $0xE000  }
0x44: {  	[spmem:s5] =	stream.indirect.scatter.add.f32 @!p0 [tilespmem:s13], [sflag:$0x3], $0x1, s14, s12, $0xb8;
	[tilespmem:$0x18300] =	vst v63  }
0x45: {  	s23 =	simm.s32 $0x1;
	s24 =	simm.s32 $0x4000;
	_ =	swait.ge @!p1 [sflag:s28], $0x1000  }
0x46: {  	s25 =	simm.s32 $0x5080;
	s14 =	simm.s32 $0x200;
	[sflag:s28] =	ssyncset.done @!p1 $0x0  }
.LBB2_2:
0x47: {  	[sflag:s28] =	ssyncadd.s32 @!p1 $0xFFFFF000  }
0x48: {  	s14 =	sadd.s32 $0x80, s14;
	s28 =	smov.u32 s23;
	s23 =	sadd.s32 $0x1, s23  }
0x49: {  	[tilespmem:s18], [sflag:$0x1] =	stream.indirect.gather @!p1 [spmem:s2], $0x20, s26, s29, $0xb8;
	[tilespmem:$0x18300] =	vst v63  }
0x4a: {  	s18 =	sand.u32 $0xC000, s24;
	p2 =	sne.s32 s23, $0xA0;
	_ =	swait.ge [sflag:s30], $0x1000  }
0x4b: {  	s26 =	smov.u32 s14;
	s18 =	sshrl.u32 s18, $0x2;
	[sflag:s30] =	ssyncset.done $0x0  }
0x4c: {  	s18 =	sadd.s32 $0xA000, s18;
	[sflag:s30] =	ssyncadd.s32 $0xFFFFF000  }
0x4d: {  	[spmem:s3] =	stream.indirect.scatter.add.f32 [tilespmem:s18], [sflag:$0x2], $0x20, s25, s22, $0xb8;
	[tilespmem:$0x18300] =	vst v63  }
.Ltmp2:
0x4e: {  	p1 =	sgt.u32 s28, $0x9B;
	(pc) =	sbr.rel @p2 .LBB2_2-.Ltmp2, $4  }
0x4f: {  	[spmem:s5] =	stream.indirect.scatter.add.f32 @!p0 [tilespmem:s13], [sflag:$0x3], $0x1, s25, s12, $0xb8;
	[tilespmem:$0x18300] =	vst v63  }
0x50: {  	s28 =	simm.s32 @!p1 $0x2  }
0x51: {  	s24 =	sadd.s32 $0x4000, s24;
	_ =	swait.ge @!p1 [sflag:s28], $0x1000  }
0x52: {  	s29 =	simm.s32 @!p1 $0x80;
	s25 =	sadd.s32 $0x80, s25;
	[sflag:s28] =	ssyncset.done @!p1 $0x0  }
0x53: {  	[sflag:s28] =	ssyncadd.s32 @!p1 $0xFFFFF000  }
0x54: {  	[tilespmem:s18], [sflag:$0x1] =	stream.indirect.gather @!p1 [spmem:s2], $0x20, s26, s29, $0xb8;
	[tilespmem:$0x18300] =	vst v63  }
0x55: {  	_ =	swait.ge [sflag:s31], $0x1000  }
0x56: {  	[sflag:s31] =	ssyncset.done $0x0  }
0x57: {  	[sflag:s31] =	ssyncadd.s32 $0xFFFFF000  }
0x58: {  	_ =	swait.ge [sflag:s31], $0x1000  }
0x59: {  	[sflag:s31] =	ssyncset.done $0x0  }
0x5a: {  	[sflag:s31] =	ssyncadd.s32 $0xFFFFF000  }
0x5b: {  	_ =	swait.ge [sflag:s31], $0x1000  }
.Ltmp3:
0x5c: {  	[sflag:s31] =	ssyncset.done $0x0;
	(pc) =	sbr.rel @p0 .LBB2_7-.Ltmp3, $4  }
0x5d: {  	[sflag:s31] =	ssyncadd.s32 $0xFFFFF000  }
0x5e: {  	_ =	swait.ge [sflag:s31], $0x1000  }
0x5f: {  	[sflag:s31] =	ssyncset.done $0x0  }
0x60: {  	s12 =	simm.s32 $0xA0;
	[sflag:s31] =	ssyncadd.s32 $0xFFFFF000  }
0x61: {  	_ =	swait.ge [sflag:s0], $0x80  }
0x62: {  	s12 =	sadd.s32 $0xFFFFFFFF, s12;
	[sflag:s0] =	ssyncset.done $0x0  }
.LBB2_5:
0x63: {  	p1 =	sne.s32 s12, $0x1;
	s12 =	sadd.s32 $0xFFFFFFFF, s12;
	[sflag:s0] =	ssyncadd.s32 $0xFFFFFF80  }
.Ltmp4:
0x64: {  	(pc) =	sbr.rel @p1 .LBB2_5-.Ltmp4, $3  }
0x65: {  	_ =	sdelay $0x1  }
0x66: {  	_ =	swait.ge [sflag:s0], $0x80  }
0x67: {  	[sflag:s0] =	ssyncset.done $0x0  }
0x68: {  	[sflag:s0] =	ssyncadd.s32 $0xFFFFFF80  }
0x69: {  	[bflag:$0x0] =	sbarrier.arrive $0xFFFF  }
0x6a: {  	s12 =	rddreg [dreg:$0x7]  }
0x6b: {  	[hbm:s12], [sflag:s19] =	dma.local [spmem:s21], $0xA00  }
0x6c: {  	_ =	swait.ge [sflag:s17], $0xA00  }
0x6d: {  	[sflag:s17] =	ssyncset.done $0x0  }
.Ltmp5:
0x6e: {  	s29 =	rddreg [dreg:$0x8];
	[sflag:s17] =	ssyncadd.s32 $0xFFFFF600;
	(pc) =	sbr.rel .LBB2_8-.Ltmp5, $4  }
0x6f: {  	[hbm:s29], [sflag:s19] =	dma.local [spmem:s1], $0x50  }
0x70: {  	_ =	swait.ge [sflag:s17], $0x50  }
0x71: {  	[sflag:s17] =	ssyncset.done $0x0  }
0x72: {  	[sflag:s17] =	ssyncadd.s32 $0xFFFFFFB0  }
.LBB2_9:
0x73: {  	_ =	sfence.sel $0x180000  }
0x74: {  	[bflag:$0x0] =	sbarrier.arrive $0xFFFF  }
0x75: {  	_ =	strace $0x90000047  }
0x76: {  	s0 =	stileid.u32;
	[bflag:$0x2] =	sbarrier.arrive $0xFFFF  }
0x77: {  	p0 =	sne.s32 s0, $0x0;
	s0 =	rddreg [dreg:$0x5]  }
0x78: {  	s0 =	sadd.s32 @!p0 $0x100000, s0  }
0x79: {  	[sflag:s0] =	ssyncadd.tile.s32 @!p0 $0x1;
	_ =	shalt  }
.Lfunc_end2:
_tile_overlayer_lowered:
.L_overlay_start_2:
0x7a: {  	(tag) =	ssettag $0x2  }
0x7b: {  	s0 =	rddreg [dreg:$0x0];
	s2 =	stileid.u32  }
0x7c: {  	s1 =	rddreg [dreg:$0x1];
	p0 =	sne.s32 s2, $0x0  }
0x7d: {  	s3 =	rddreg [dreg:$0x2];
	[bflag:$0x3] =	sbarrier.arrive $0xFFFF;
	s2 =	simm.s32 @!p0 $0x1C04  }
0x7e: {  	[timem:s3], [sflag:s2] =	dma.local @!p0 [hbm:s0], s1  }
0x7f: {  	s0 =	simm.s32 @!p0 $0x4  }
0x80: {  	_ =	swait.ge @!p0 [sflag:s0], s1  }
0x81: {  	s1 =	ssub.s32 @!p0 $0x0, s1;
	[sflag:s0] =	ssyncset.done @!p0 $0x0  }
0x82: {  	[sflag:s0] =	ssyncadd.s32 @!p0 s1  }
0x83: {  	[bflag:$0x3] =	sbarrier.arrive $0xFFFF  }
0x84: {  	_ =	shalt  }

</sc_bundles>
